<compile_context>
chip_gen: v7x
topology: tpu7x:2x2x1
jax: 0.10.2.dev20260603
libtpu: 0.0.44.dev20260713+nightly
codegen_flags: <defaults>
</compile_context>

<pallas_src>
import functools

import jax
import jax.numpy as jnp
import numpy as np
from jax import lax
from jax.experimental import pallas as pl
from jax.experimental.pallas import tpu as pltpu
from jax.experimental.pallas import tpu_sc as plsc

_N = 36
_L = 16

_TWO_PI = float(np.pi * 2)
_HALF_PI = float(np.pi / 2)
_WINDOW = float(np.pi / 3 / 2)

_MESH = plsc.VectorSubcoreMesh(
    core_axis_name="c", subcore_axis_name="s", num_cores=1, num_subcores=16
)


def _fmod_pos(x, m):
    r = lax.rem(x, jnp.float32(m))
    return jnp.where(r < 0, r + jnp.float32(m), r)


def _merge(ak, av, bk, bv):
    rk = lax.rev(bk, (0,))
    rv = lax.rev(bv, (0,))
    m = ak <= rk
    lo = plsc.sort_key_val(jnp.where(m, ak, rk), jnp.where(m, av, rv))
    hi = plsc.sort_key_val(jnp.where(m, rk, ak), jnp.where(m, rv, av))
    return lo[0], lo[1], hi[0], hi[1]


@functools.partial(
    pl.kernel,
    mesh=_MESH,
    compiler_params=pltpu.CompilerParams(needs_layout_passes=False),
    out_type=jax.ShapeDtypeStruct((_L,), jnp.float32),
    scratch_types=[
        pltpu.VMEM((128,), jnp.float32),
        pltpu.VMEM((4 * 72,), jnp.float32),
        pltpu.VMEM((_L,), jnp.float32),
    ],
)
def _plant_loss_sc(y_hbm, p0_hbm, p1_hbm, p2_hbm, p3_hbm, out_hbm,
                   y_v, preds_v, outv):
    wid = lax.axis_index("s")

    @pl.when(wid == 0)
    def _():
        pltpu.sync_copy(y_hbm, y_v)
        pltpu.sync_copy(p0_hbm, preds_v.at[pl.ds(0, 72)])
        pltpu.sync_copy(p1_hbm, preds_v.at[pl.ds(72, 72)])
        pltpu.sync_copy(p2_hbm, preds_v.at[pl.ds(144, 72)])
        pltpu.sync_copy(p3_hbm, preds_v.at[pl.ds(216, 72)])

        lane = lax.iota(jnp.int32, _L)
        acc = jnp.zeros((_L,), jnp.float32)

        for i in range(4):
            K, V = [], []
            for s in range(3):
                gidx = lane + (s * _L)
                valid = gidx < _N
                a0 = plsc.load_gather(y_v, [gidx * 2])
                ang = plsc.load_gather(y_v, [gidx * 2 + 1])
                t = ang - jnp.float32(_HALF_PI * i)
                factor = (_fmod_pos(t, _TWO_PI) < jnp.float32(_WINDOW)) & valid
                y1m = jnp.where(factor, ang, jnp.float32(0.0))
                y0m = jnp.where(factor, a0, jnp.float32(0.0))
                key = jnp.where(valid, y1m, jnp.float32(np.inf))
                sk, sv = plsc.sort_key_val(key, y0m)
                K.append(sk)
                V.append(sv)

            K[0], V[0], K[1], V[1] = _merge(K[0], V[0], K[1], V[1])
            K[1], V[1], K[2], V[2] = _merge(K[1], V[1], K[2], V[2])
            K[0], V[0], K[1], V[1] = _merge(K[0], V[0], K[1], V[1])

            for s in range(3):
                gidx = lane + (s * _L)
                valid = gidx < _N
                pidx = jnp.where(valid, gidx * 2, 0) + (i * 72)
                p0 = plsc.load_gather(preds_v, [pidx])
                p1 = plsc.load_gather(preds_v, [pidx + 1])
                d0 = _fmod_pos(V[s], 6.28) / jnp.float32(6.28) - p0
                d1 = _fmod_pos(K[s], 6.28) / jnp.float32(6.28) - p1
                acc = acc + jnp.where(valid, d0 * d0 + d1 * d1,
                                      jnp.float32(0.0))

        total = jnp.sum(acc)
        outv[...] = jnp.full((_L,), total) / jnp.float32(_N * 2 * 4)
        pltpu.sync_copy(outv, out_hbm)


def kernel(y, preds0, preds1, preds2, preds3):
    out = _plant_loss_sc(
        y.reshape(128),
        preds0.reshape(72), preds1.reshape(72),
        preds2.reshape(72), preds3.reshape(72),
    )
    return out[0]

# --- scband reference (transcript-rebuilt; emitter-appended) ---
"""Pipeline reference for scband-plant-loss-25958782337180 (READ-ONLY COPY).

The authoritative reference and input builder live on the scoring server;
editing this copy changes nothing except your own understanding.
"""

import jax, jax.numpy as jnp
import numpy as np

ANGLE_RANGE = jnp.pi / 3


def setup_inputs(seed: int = 0) -> dict:
    key = jax.random.key(seed)
    k1, k2, k3, k4, k5 = jax.random.split(key, 5)
    y = jax.random.normal(k1, (1, 64, 2), dtype=jnp.float32)
    preds0 = jax.random.uniform(k2, (36, 2), dtype=jnp.float32)
    preds1 = jax.random.uniform(k3, (36, 2), dtype=jnp.float32)
    preds2 = jax.random.uniform(k4, (36, 2), dtype=jnp.float32)
    preds3 = jax.random.uniform(k5, (36, 2), dtype=jnp.float32)
    return {"y": y, "preds0": preds0, "preds1": preds1, "preds2": preds2, "preds3": preds3}


def reference(y, preds0, preds1, preds2, preds3):
    preds_list = [preds0, preds1, preds2, preds3]
    res = jnp.float32(0.0)
    for i in range(4):
        ang = y[0, :36, 1]
        factor = jnp.where(
            jnp.abs((ang - jnp.pi / 2 * i) % (jnp.pi * 2)) < ANGLE_RANGE / 2,
            jnp.ones_like(ang),
            jnp.zeros_like(ang),
        )
        y_ = jnp.stack((y[0, :36, 0] * factor, y[0, :36, 1] * factor)).T
        indices = jnp.argsort(y_[:, 1])
        y_sorted = y_[indices][:36, :]
        diff = y_sorted % 6.28 / 6.28 - preds_list[i]
        res = res + jnp.mean(diff * diff)
    return res / 4.0

if __name__ == "__main__":
    import jax
    _d = setup_inputs()
    print(jax.jit(kernel)(*tuple(_d.values())))

</pallas_src>

<mosaic_0001>
#map = affine_map<(d0, d1) -> (0)>
module attributes {stable_mosaic.version = 14 : i64} {
  func.func @_plant_loss_sc(%arg0: i32, %arg1: i32, %arg2: memref<128xf32, #tpu.memory_space<hbm>>, %arg3: memref<72xf32, #tpu.memory_space<hbm>>, %arg4: memref<72xf32, #tpu.memory_space<hbm>>, %arg5: memref<72xf32, #tpu.memory_space<hbm>>, %arg6: memref<72xf32, #tpu.memory_space<hbm>>, %arg7: memref<16xf32, #tpu.memory_space<hbm>>, %arg8: memref<128xf32, #tpu.memory_space<vmem>>, %arg9: memref<288xf32, #tpu.memory_space<vmem>>, %arg10: memref<16xf32, #tpu.memory_space<vmem>>) attributes {dimension_semantics = [#tpu.dimension_semantics<core_parallel>, #tpu.dimension_semantics<subcore_parallel>], iteration_bounds = array<i64: 1, 16>, scalar_prefetch = 0 : i64, scratch_operands = 3 : i64, tpu.core_type = #tpu.core_type<sc_vector_subcore>, window_params = [{transform_indices = #map}, {transform_indices = #map}, {transform_indices = #map}, {transform_indices = #map}, {transform_indices = #map}, {transform_indices = #map}]} {
    %eq3A = arith.constant 0 : i32
    %eq3A_0 = arith.cmpi eq, %arg1, %eq3A : i32
    %convert_element_type3A = arith.extui %eq3A_0 : i1 to i32
    %cond3A = arith.constant 0 : i32
    %cond3A_1 = arith.cmpi ne, %convert_element_type3A, %cond3A : i32
    scf.if %cond3A_1 {
      "tpu.region"() ({
        %run_scoped3A = tpu.sem_alloc : memref<!tpu.dma_semaphore, #tpu.memory_space<semaphore_mem>>
        tpu.enqueue_dma source(%arg2 : memref<128xf32, #tpu.memory_space<hbm>>) target(%arg8 : memref<128xf32, #tpu.memory_space<vmem>>) target_semaphore(%run_scoped3A : memref<!tpu.dma_semaphore, #tpu.memory_space<semaphore_mem>>)
        tpu.wait_dma2 semaphore(%run_scoped3A : memref<!tpu.dma_semaphore, #tpu.memory_space<semaphore_mem>>) src(%arg2 : memref<128xf32, #tpu.memory_space<hbm>>) dst(%arg8 : memref<128xf32, #tpu.memory_space<vmem>>)
        tpu.yield
      }) : () -> ()
      "tpu.region"() ({
        %run_scoped3A = tpu.sem_alloc : memref<!tpu.dma_semaphore, #tpu.memory_space<semaphore_mem>>
        %dma_start3A = arith.constant 0 : i32
        %dma_start3A_1498 = tpu.memref_slice %arg9[%dma_start3A] : memref<288xf32, #tpu.memory_space<vmem>> -> memref<72xf32, #tpu.memory_space<vmem>>
        %dma_start3A_1499 = arith.constant 0 : i32
        %dma_start3A_1500 = tpu.memref_slice %arg9[%dma_start3A_1499] : memref<288xf32, #tpu.memory_space<vmem>> -> memref<72xf32, #tpu.memory_space<vmem>>
        tpu.enqueue_dma source(%arg3 : memref<72xf32, #tpu.memory_space<hbm>>) target(%dma_start3A_1500 : memref<72xf32, #tpu.memory_space<vmem>>) target_semaphore(%run_scoped3A : memref<!tpu.dma_semaphore, #tpu.memory_space<semaphore_mem>>)
        %dma_wait3A = arith.constant 0 : i32
        %dma_wait3A_1501 = tpu.memref_slice %arg9[%dma_wait3A] : memref<288xf32, #tpu.memory_space<vmem>> -> memref<72xf32, #tpu.memory_space<vmem>>
        %dma_wait3A_1502 = arith.constant 0 : i32
        %dma_wait3A_1503 = tpu.memref_slice %arg9[%dma_wait3A_1502] : memref<288xf32, #tpu.memory_space<vmem>> -> memref<72xf32, #tpu.memory_space<vmem>>
        tpu.wait_dma2 semaphore(%run_scoped3A : memref<!tpu.dma_semaphore, #tpu.memory_space<semaphore_mem>>) src(%arg3 : memref<72xf32, #tpu.memory_space<hbm>>) dst(%dma_wait3A_1503 : memref<72xf32, #tpu.memory_space<vmem>>)
        tpu.yield
      }) : () -> ()
      "tpu.region"() ({
        %run_scoped3A = tpu.sem_alloc : memref<!tpu.dma_semaphore, #tpu.memory_space<semaphore_mem>>
        %dma_start3A = arith.constant 72 : i32
        %dma_start3A_1498 = tpu.memref_slice %arg9[%dma_start3A] : memref<288xf32, #tpu.memory_space<vmem>> -> memref<72xf32, #tpu.memory_space<vmem>>
        %dma_start3A_1499 = arith.constant 72 : i32
        %dma_start3A_1500 = tpu.memref_slice %arg9[%dma_start3A_1499] : memref<288xf32, #tpu.memory_space<vmem>> -> memref<72xf32, #tpu.memory_space<vmem>>
        tpu.enqueue_dma source(%arg4 : memref<72xf32, #tpu.memory_space<hbm>>) target(%dma_start3A_1500 : memref<72xf32, #tpu.memory_space<vmem>>) target_semaphore(%run_scoped3A : memref<!tpu.dma_semaphore, #tpu.memory_space<semaphore_mem>>)
        %dma_wait3A = arith.constant 72 : i32
        %dma_wait3A_1501 = tpu.memref_slice %arg9[%dma_wait3A] : memref<288xf32, #tpu.memory_space<vmem>> -> memref<72xf32, #tpu.memory_space<vmem>>
        %dma_wait3A_1502 = arith.constant 72 : i32
        %dma_wait3A_1503 = tpu.memref_slice %arg9[%dma_wait3A_1502] : memref<288xf32, #tpu.memory_space<vmem>> -> memref<72xf32, #tpu.memory_space<vmem>>
        tpu.wait_dma2 semaphore(%run_scoped3A : memref<!tpu.dma_semaphore, #tpu.memory_space<semaphore_mem>>) src(%arg4 : memref<72xf32, #tpu.memory_space<hbm>>) dst(%dma_wait3A_1503 : memref<72xf32, #tpu.memory_space<vmem>>)
        tpu.yield
      }) : () -> ()
      "tpu.region"() ({
        %run_scoped3A = tpu.sem_alloc : memref<!tpu.dma_semaphore, #tpu.memory_space<semaphore_mem>>
        %dma_start3A = arith.constant 144 : i32
        %dma_start3A_1498 = tpu.memref_slice %arg9[%dma_start3A] : memref<288xf32, #tpu.memory_space<vmem>> -> memref<72xf32, #tpu.memory_space<vmem>>
        %dma_start3A_1499 = arith.constant 144 : i32
        %dma_start3A_1500 = tpu.memref_slice %arg9[%dma_start3A_1499] : memref<288xf32, #tpu.memory_space<vmem>> -> memref<72xf32, #tpu.memory_space<vmem>>
        tpu.enqueue_dma source(%arg5 : memref<72xf32, #tpu.memory_space<hbm>>) target(%dma_start3A_1500 : memref<72xf32, #tpu.memory_space<vmem>>) target_semaphore(%run_scoped3A : memref<!tpu.dma_semaphore, #tpu.memory_space<semaphore_mem>>)
        %dma_wait3A = arith.constant 144 : i32
        %dma_wait3A_1501 = tpu.memref_slice %arg9[%dma_wait3A] : memref<288xf32, #tpu.memory_space<vmem>> -> memref<72xf32, #tpu.memory_space<vmem>>
        %dma_wait3A_1502 = arith.constant 144 : i32
        %dma_wait3A_1503 = tpu.memref_slice %arg9[%dma_wait3A_1502] : memref<288xf32, #tpu.memory_space<vmem>> -> memref<72xf32, #tpu.memory_space<vmem>>
        tpu.wait_dma2 semaphore(%run_scoped3A : memref<!tpu.dma_semaphore, #tpu.memory_space<semaphore_mem>>) src(%arg5 : memref<72xf32, #tpu.memory_space<hbm>>) dst(%dma_wait3A_1503 : memref<72xf32, #tpu.memory_space<vmem>>)
        tpu.yield
      }) : () -> ()
      "tpu.region"() ({
        %run_scoped3A = tpu.sem_alloc : memref<!tpu.dma_semaphore, #tpu.memory_space<semaphore_mem>>
        %dma_start3A = arith.constant 216 : i32
        %dma_start3A_1498 = tpu.memref_slice %arg9[%dma_start3A] : memref<288xf32, #tpu.memory_space<vmem>> -> memref<72xf32, #tpu.memory_space<vmem>>
        %dma_start3A_1499 = arith.constant 216 : i32
        %dma_start3A_1500 = tpu.memref_slice %arg9[%dma_start3A_1499] : memref<288xf32, #tpu.memory_space<vmem>> -> memref<72xf32, #tpu.memory_space<vmem>>
        tpu.enqueue_dma source(%arg6 : memref<72xf32, #tpu.memory_space<hbm>>) target(%dma_start3A_1500 : memref<72xf32, #tpu.memory_space<vmem>>) target_semaphore(%run_scoped3A : memref<!tpu.dma_semaphore, #tpu.memory_space<semaphore_mem>>)
        %dma_wait3A = arith.constant 216 : i32
        %dma_wait3A_1501 = tpu.memref_slice %arg9[%dma_wait3A] : memref<288xf32, #tpu.memory_space<vmem>> -> memref<72xf32, #tpu.memory_space<vmem>>
        %dma_wait3A_1502 = arith.constant 216 : i32
        %dma_wait3A_1503 = tpu.memref_slice %arg9[%dma_wait3A_1502] : memref<288xf32, #tpu.memory_space<vmem>> -> memref<72xf32, #tpu.memory_space<vmem>>
        tpu.wait_dma2 semaphore(%run_scoped3A : memref<!tpu.dma_semaphore, #tpu.memory_space<semaphore_mem>>) src(%arg6 : memref<72xf32, #tpu.memory_space<hbm>>) dst(%dma_wait3A_1503 : memref<72xf32, #tpu.memory_space<vmem>>)
        tpu.yield
      }) : () -> ()
      %iota3A = tpu.iota {dimensions = array<i32: 0>} : vector<16xi32>
      %broadcast_in_dim3A = arith.constant 0.000000e+00 : f32
      %broadcast_in_dim3A_2 = vector.broadcast %broadcast_in_dim3A : f32 to vector<16xf32>
      %add3A = arith.constant 0 : i32
      %add3A_3 = vector.broadcast %add3A : i32 to vector<16xi32>
      %add3A_4 = arith.addi %iota3A, %add3A_3 : vector<16xi32>
      %lt3A = arith.constant 36 : i32
      %lt3A_5 = vector.broadcast %lt3A : i32 to vector<16xi32>
      %lt3A_6 = arith.cmpi slt, %add3A_4, %lt3A_5 : vector<16xi32>
      %mul3A = arith.constant 2 : i32
      %mul3A_7 = vector.broadcast %mul3A : i32 to vector<16xi32>
      %mul3A_8 = arith.muli %add3A_4, %mul3A_7 : vector<16xi32>
      %gather3A = tpu.vector_load_idx %arg8[%mul3A_8] : memref<128xf32, #tpu.memory_space<vmem>>[vector<16xi32>], vector<16xf32>,
      %mul3A_9 = arith.constant 2 : i32
      %mul3A_10 = vector.broadcast %mul3A_9 : i32 to vector<16xi32>
      %mul3A_11 = arith.muli %add3A_4, %mul3A_10 : vector<16xi32>
      %add3A_12 = arith.constant 1 : i32
      %add3A_13 = vector.broadcast %add3A_12 : i32 to vector<16xi32>
      %add3A_14 = arith.addi %mul3A_11, %add3A_13 : vector<16xi32>
      %gather3A_15 = tpu.vector_load_idx %arg8[%add3A_14] : memref<128xf32, #tpu.memory_space<vmem>>[vector<16xi32>], vector<16xf32>,
      %sub3A = arith.constant 0.000000e+00 : f32
      %sub3A_16 = vector.broadcast %sub3A : f32 to vector<16xf32>
      %sub3A_17 = arith.subf %gather3A_15, %sub3A_16 : vector<16xf32>
      %rem3A = arith.constant 6.28318548 : f32
      %rem3A_18 = vector.broadcast %rem3A : f32 to vector<16xf32>
      %rem3A_19 = arith.remf %sub3A_17, %rem3A_18 : vector<16xf32>
      %lt3A_20 = arith.constant 0.000000e+00 : f32
      %lt3A_21 = vector.broadcast %lt3A_20 : f32 to vector<16xf32>
      %lt3A_22 = arith.cmpf olt, %rem3A_19, %lt3A_21 : vector<16xf32>
      %add3A_23 = arith.constant 6.28318548 : f32
      %add3A_24 = vector.broadcast %add3A_23 : f32 to vector<16xf32>
      %add3A_25 = arith.addf %rem3A_19, %add3A_24 : vector<16xf32>
      %select_n3A = arith.select %lt3A_22, %add3A_25, %rem3A_19 : vector<16xi1>, vector<16xf32>
      %lt3A_26 = arith.constant 0.52359879 : f32
      %lt3A_27 = vector.broadcast %lt3A_26 : f32 to vector<16xf32>
      %lt3A_28 = arith.cmpf olt, %select_n3A, %lt3A_27 : vector<16xf32>
      %and3A = arith.andi %lt3A_28, %lt3A_6 : vector<16xi1>
      %jit3A = arith.constant 0.000000e+00 : f32
      %broadcast_in_dim3A_29 = vector.broadcast %jit3A : f32 to vector<16xf32>
      %select_n3A_30 = arith.select %and3A, %gather3A_15, %broadcast_in_dim3A_29 : vector<16xi1>, vector<16xf32>
      %jit3A_31 = arith.constant 0.000000e+00 : f32
      %broadcast_in_dim3A_32 = vector.broadcast %jit3A_31 : f32 to vector<16xf32>
      %select_n3A_33 = arith.select %and3A, %gather3A, %broadcast_in_dim3A_32 : vector<16xi1>, vector<16xf32>
      %jit3A_34 = arith.constant 0x7F800000 : f32
      %broadcast_in_dim3A_35 = vector.broadcast %jit3A_34 : f32 to vector<16xf32>
      %select_n3A_36 = arith.select %lt3A_6, %select_n3A_30, %broadcast_in_dim3A_35 : vector<16xi1>, vector<16xf32>
      %masked_sort3A = arith.constant dense<true> : vector<16xi1>
      %masked_sort3A_37, %masked_sort3A_38, %masked_sort3A_39 = tpu.sort %select_n3A_36, %select_n3A_33 masked %masked_sort3A : (vector<16xf32>, vector<16xf32>, vector<16xi1>) -> (vector<16xi1>, vector<16xf32>, vector<16xf32>)
      %add3A_40 = arith.constant 16 : i32
      %add3A_41 = vector.broadcast %add3A_40 : i32 to vector<16xi32>
      %add3A_42 = arith.addi %iota3A, %add3A_41 : vector<16xi32>
      %lt3A_43 = arith.constant 36 : i32
      %lt3A_44 = vector.broadcast %lt3A_43 : i32 to vector<16xi32>
      %lt3A_45 = arith.cmpi slt, %add3A_42, %lt3A_44 : vector<16xi32>
      %mul3A_46 = arith.constant 2 : i32
      %mul3A_47 = vector.broadcast %mul3A_46 : i32 to vector<16xi32>
      %mul3A_48 = arith.muli %add3A_42, %mul3A_47 : vector<16xi32>
      %gather3A_49 = tpu.vector_load_idx %arg8[%mul3A_48] : memref<128xf32, #tpu.memory_space<vmem>>[vector<16xi32>], vector<16xf32>,
      %mul3A_50 = arith.constant 2 : i32
      %mul3A_51 = vector.broadcast %mul3A_50 : i32 to vector<16xi32>
      %mul3A_52 = arith.muli %add3A_42, %mul3A_51 : vector<16xi32>
      %add3A_53 = arith.constant 1 : i32
      %add3A_54 = vector.broadcast %add3A_53 : i32 to vector<16xi32>
      %add3A_55 = arith.addi %mul3A_52, %add3A_54 : vector<16xi32>
      %gather3A_56 = tpu.vector_load_idx %arg8[%add3A_55] : memref<128xf32, #tpu.memory_space<vmem>>[vector<16xi32>], vector<16xf32>,
      %sub3A_57 = arith.constant 0.000000e+00 : f32
      %sub3A_58 = vector.broadcast %sub3A_57 : f32 to vector<16xf32>
      %sub3A_59 = arith.subf %gather3A_56, %sub3A_58 : vector<16xf32>
      %rem3A_60 = arith.constant 6.28318548 : f32
      %rem3A_61 = vector.broadcast %rem3A_60 : f32 to vector<16xf32>
      %rem3A_62 = arith.remf %sub3A_59, %rem3A_61 : vector<16xf32>
      %lt3A_63 = arith.constant 0.000000e+00 : f32
      %lt3A_64 = vector.broadcast %lt3A_63 : f32 to vector<16xf32>
      %lt3A_65 = arith.cmpf olt, %rem3A_62, %lt3A_64 : vector<16xf32>
      %add3A_66 = arith.constant 6.28318548 : f32
      %add3A_67 = vector.broadcast %add3A_66 : f32 to vector<16xf32>
      %add3A_68 = arith.addf %rem3A_62, %add3A_67 : vector<16xf32>
      %select_n3A_69 = arith.select %lt3A_65, %add3A_68, %rem3A_62 : vector<16xi1>, vector<16xf32>
      %lt3A_70 = arith.constant 0.52359879 : f32
      %lt3A_71 = vector.broadcast %lt3A_70 : f32 to vector<16xf32>
      %lt3A_72 = arith.cmpf olt, %select_n3A_69, %lt3A_71 : vector<16xf32>
      %and3A_73 = arith.andi %lt3A_72, %lt3A_45 : vector<16xi1>
      %jit3A_74 = arith.constant 0.000000e+00 : f32
      %broadcast_in_dim3A_75 = vector.broadcast %jit3A_74 : f32 to vector<16xf32>
      %select_n3A_76 = arith.select %and3A_73, %gather3A_56, %broadcast_in_dim3A_75 : vector<16xi1>, vector<16xf32>
      %jit3A_77 = arith.constant 0.000000e+00 : f32
      %broadcast_in_dim3A_78 = vector.broadcast %jit3A_77 : f32 to vector<16xf32>
      %select_n3A_79 = arith.select %and3A_73, %gather3A_49, %broadcast_in_dim3A_78 : vector<16xi1>, vector<16xf32>
      %jit3A_80 = arith.constant 0x7F800000 : f32
      %broadcast_in_dim3A_81 = vector.broadcast %jit3A_80 : f32 to vector<16xf32>
      %select_n3A_82 = arith.select %lt3A_45, %select_n3A_76, %broadcast_in_dim3A_81 : vector<16xi1>, vector<16xf32>
      %masked_sort3A_83 = arith.constant dense<true> : vector<16xi1>
      %masked_sort3A_84, %masked_sort3A_85, %masked_sort3A_86 = tpu.sort %select_n3A_82, %select_n3A_79 masked %masked_sort3A_83 : (vector<16xf32>, vector<16xf32>, vector<16xi1>) -> (vector<16xi1>, vector<16xf32>, vector<16xf32>)
      %add3A_87 = arith.constant 32 : i32
      %add3A_88 = vector.broadcast %add3A_87 : i32 to vector<16xi32>
      %add3A_89 = arith.addi %iota3A, %add3A_88 : vector<16xi32>
      %lt3A_90 = arith.constant 36 : i32
      %lt3A_91 = vector.broadcast %lt3A_90 : i32 to vector<16xi32>
      %lt3A_92 = arith.cmpi slt, %add3A_89, %lt3A_91 : vector<16xi32>
      %mul3A_93 = arith.constant 2 : i32
      %mul3A_94 = vector.broadcast %mul3A_93 : i32 to vector<16xi32>
      %mul3A_95 = arith.muli %add3A_89, %mul3A_94 : vector<16xi32>
      %gather3A_96 = tpu.vector_load_idx %arg8[%mul3A_95] : memref<128xf32, #tpu.memory_space<vmem>>[vector<16xi32>], vector<16xf32>,
      %mul3A_97 = arith.constant 2 : i32
      %mul3A_98 = vector.broadcast %mul3A_97 : i32 to vector<16xi32>
      %mul3A_99 = arith.muli %add3A_89, %mul3A_98 : vector<16xi32>
      %add3A_100 = arith.constant 1 : i32
      %add3A_101 = vector.broadcast %add3A_100 : i32 to vector<16xi32>
      %add3A_102 = arith.addi %mul3A_99, %add3A_101 : vector<16xi32>
      %gather3A_103 = tpu.vector_load_idx %arg8[%add3A_102] : memref<128xf32, #tpu.memory_space<vmem>>[vector<16xi32>], vector<16xf32>,
      %sub3A_104 = arith.constant 0.000000e+00 : f32
      %sub3A_105 = vector.broadcast %sub3A_104 : f32 to vector<16xf32>
      %sub3A_106 = arith.subf %gather3A_103, %sub3A_105 : vector<16xf32>
      %rem3A_107 = arith.constant 6.28318548 : f32
      %rem3A_108 = vector.broadcast %rem3A_107 : f32 to vector<16xf32>
      %rem3A_109 = arith.remf %sub3A_106, %rem3A_108 : vector<16xf32>
      %lt3A_110 = arith.constant 0.000000e+00 : f32
      %lt3A_111 = vector.broadcast %lt3A_110 : f32 to vector<16xf32>
      %lt3A_112 = arith.cmpf olt, %rem3A_109, %lt3A_111 : vector<16xf32>
      %add3A_113 = arith.constant 6.28318548 : f32
      %add3A_114 = vector.broadcast %add3A_113 : f32 to vector<16xf32>
      %add3A_115 = arith.addf %rem3A_109, %add3A_114 : vector<16xf32>
      %select_n3A_116 = arith.select %lt3A_112, %add3A_115, %rem3A_109 : vector<16xi1>, vector<16xf32>
      %lt3A_117 = arith.constant 0.52359879 : f32
      %lt3A_118 = vector.broadcast %lt3A_117 : f32 to vector<16xf32>
      %lt3A_119 = arith.cmpf olt, %select_n3A_116, %lt3A_118 : vector<16xf32>
      %and3A_120 = arith.andi %lt3A_119, %lt3A_92 : vector<16xi1>
      %jit3A_121 = arith.constant 0.000000e+00 : f32
      %broadcast_in_dim3A_122 = vector.broadcast %jit3A_121 : f32 to vector<16xf32>
      %select_n3A_123 = arith.select %and3A_120, %gather3A_103, %broadcast_in_dim3A_122 : vector<16xi1>, vector<16xf32>
      %jit3A_124 = arith.constant 0.000000e+00 : f32
      %broadcast_in_dim3A_125 = vector.broadcast %jit3A_124 : f32 to vector<16xf32>
      %select_n3A_126 = arith.select %and3A_120, %gather3A_96, %broadcast_in_dim3A_125 : vector<16xi1>, vector<16xf32>
      %jit3A_127 = arith.constant 0x7F800000 : f32
      %broadcast_in_dim3A_128 = vector.broadcast %jit3A_127 : f32 to vector<16xf32>
      %select_n3A_129 = arith.select %lt3A_92, %select_n3A_123, %broadcast_in_dim3A_128 : vector<16xi1>, vector<16xf32>
      %masked_sort3A_130 = arith.constant dense<true> : vector<16xi1>
      %masked_sort3A_131, %masked_sort3A_132, %masked_sort3A_133 = tpu.sort %select_n3A_129, %select_n3A_126 masked %masked_sort3A_130 : (vector<16xf32>, vector<16xf32>, vector<16xi1>) -> (vector<16xi1>, vector<16xf32>, vector<16xf32>)
      %rev3A = arith.constant 15 : i32
      %rev3A_134 = vector.broadcast %rev3A : i32 to vector<16xi32>
      %rev3A_135 = tpu.iota {dimensions = array<i32: 0>} : vector<16xi32>
      %rev3A_136 = arith.subi %rev3A_134, %rev3A_135 : vector<16xi32>
      %rev3A_137 = tpu.dynamic_gather %masked_sort3A_85[%rev3A_136] in [0] : vector<16xf32>, vector<16xi32> -> vector<16xf32>
      %rev3A_138 = arith.constant 15 : i32
      %rev3A_139 = vector.broadcast %rev3A_138 : i32 to vector<16xi32>
      %rev3A_140 = tpu.iota {dimensions = array<i32: 0>} : vector<16xi32>
      %rev3A_141 = arith.subi %rev3A_139, %rev3A_140 : vector<16xi32>
      %rev3A_142 = tpu.dynamic_gather %masked_sort3A_86[%rev3A_141] in [0] : vector<16xf32>, vector<16xi32> -> vector<16xf32>
      %le3A = arith.cmpf ole, %masked_sort3A_38, %rev3A_137 : vector<16xf32>
      %select_n3A_143 = arith.select %le3A, %masked_sort3A_38, %rev3A_137 : vector<16xi1>, vector<16xf32>
      %select_n3A_144 = arith.select %le3A, %masked_sort3A_39, %rev3A_142 : vector<16xi1>, vector<16xf32>
      %masked_sort3A_145 = arith.constant dense<true> : vector<16xi1>
      %masked_sort3A_146, %masked_sort3A_147, %masked_sort3A_148 = tpu.sort %select_n3A_143, %select_n3A_144 masked %masked_sort3A_145 : (vector<16xf32>, vector<16xf32>, vector<16xi1>) -> (vector<16xi1>, vector<16xf32>, vector<16xf32>)
      %select_n3A_149 = arith.select %le3A, %rev3A_137, %masked_sort3A_38 : vector<16xi1>, vector<16xf32>
      %select_n3A_150 = arith.select %le3A, %rev3A_142, %masked_sort3A_39 : vector<16xi1>, vector<16xf32>
      %masked_sort3A_151 = arith.constant dense<true> : vector<16xi1>
      %masked_sort3A_152, %masked_sort3A_153, %masked_sort3A_154 = tpu.sort %select_n3A_149, %select_n3A_150 masked %masked_sort3A_151 : (vector<16xf32>, vector<16xf32>, vector<16xi1>) -> (vector<16xi1>, vector<16xf32>, vector<16xf32>)
      %rev3A_155 = arith.constant 15 : i32
      %rev3A_156 = vector.broadcast %rev3A_155 : i32 to vector<16xi32>
      %rev3A_157 = tpu.iota {dimensions = array<i32: 0>} : vector<16xi32>
      %rev3A_158 = arith.subi %rev3A_156, %rev3A_157 : vector<16xi32>
      %rev3A_159 = tpu.dynamic_gather %masked_sort3A_132[%rev3A_158] in [0] : vector<16xf32>, vector<16xi32> -> vector<16xf32>
      %rev3A_160 = arith.constant 15 : i32
      %rev3A_161 = vector.broadcast %rev3A_160 : i32 to vector<16xi32>
      %rev3A_162 = tpu.iota {dimensions = array<i32: 0>} : vector<16xi32>
      %rev3A_163 = arith.subi %rev3A_161, %rev3A_162 : vector<16xi32>
      %rev3A_164 = tpu.dynamic_gather %masked_sort3A_133[%rev3A_163] in [0] : vector<16xf32>, vector<16xi32> -> vector<16xf32>
      %le3A_165 = arith.cmpf ole, %masked_sort3A_153, %rev3A_159 : vector<16xf32>
      %select_n3A_166 = arith.select %le3A_165, %masked_sort3A_153, %rev3A_159 : vector<16xi1>, vector<16xf32>
      %select_n3A_167 = arith.select %le3A_165, %masked_sort3A_154, %rev3A_164 : vector<16xi1>, vector<16xf32>
      %masked_sort3A_168 = arith.constant dense<true> : vector<16xi1>
      %masked_sort3A_169, %masked_sort3A_170, %masked_sort3A_171 = tpu.sort %select_n3A_166, %select_n3A_167 masked %masked_sort3A_168 : (vector<16xf32>, vector<16xf32>, vector<16xi1>) -> (vector<16xi1>, vector<16xf32>, vector<16xf32>)
      %select_n3A_172 = arith.select %le3A_165, %rev3A_159, %masked_sort3A_153 : vector<16xi1>, vector<16xf32>
      %select_n3A_173 = arith.select %le3A_165, %rev3A_164, %masked_sort3A_154 : vector<16xi1>, vector<16xf32>
      %masked_sort3A_174 = arith.constant dense<true> : vector<16xi1>
      %masked_sort3A_175, %masked_sort3A_176, %masked_sort3A_177 = tpu.sort %select_n3A_172, %select_n3A_173 masked %masked_sort3A_174 : (vector<16xf32>, vector<16xf32>, vector<16xi1>) -> (vector<16xi1>, vector<16xf32>, vector<16xf32>)
      %rev3A_178 = arith.constant 15 : i32
      %rev3A_179 = vector.broadcast %rev3A_178 : i32 to vector<16xi32>
      %rev3A_180 = tpu.iota {dimensions = array<i32: 0>} : vector<16xi32>
      %rev3A_181 = arith.subi %rev3A_179, %rev3A_180 : vector<16xi32>
      %rev3A_182 = tpu.dynamic_gather %masked_sort3A_170[%rev3A_181] in [0] : vector<16xf32>, vector<16xi32> -> vector<16xf32>
      %rev3A_183 = arith.constant 15 : i32
      %rev3A_184 = vector.broadcast %rev3A_183 : i32 to vector<16xi32>
      %rev3A_185 = tpu.iota {dimensions = array<i32: 0>} : vector<16xi32>
      %rev3A_186 = arith.subi %rev3A_184, %rev3A_185 : vector<16xi32>
      %rev3A_187 = tpu.dynamic_gather %masked_sort3A_171[%rev3A_186] in [0] : vector<16xf32>, vector<16xi32> -> vector<16xf32>
      %le3A_188 = arith.cmpf ole, %masked_sort3A_147, %rev3A_182 : vector<16xf32>
      %select_n3A_189 = arith.select %le3A_188, %masked_sort3A_147, %rev3A_182 : vector<16xi1>, vector<16xf32>
      %select_n3A_190 = arith.select %le3A_188, %masked_sort3A_148, %rev3A_187 : vector<16xi1>, vector<16xf32>
      %masked_sort3A_191 = arith.constant dense<true> : vector<16xi1>
      %masked_sort3A_192, %masked_sort3A_193, %masked_sort3A_194 = tpu.sort %select_n3A_189, %select_n3A_190 masked %masked_sort3A_191 : (vector<16xf32>, vector<16xf32>, vector<16xi1>) -> (vector<16xi1>, vector<16xf32>, vector<16xf32>)
      %select_n3A_195 = arith.select %le3A_188, %rev3A_182, %masked_sort3A_147 : vector<16xi1>, vector<16xf32>
      %select_n3A_196 = arith.select %le3A_188, %rev3A_187, %masked_sort3A_148 : vector<16xi1>, vector<16xf32>
      %masked_sort3A_197 = arith.constant dense<true> : vector<16xi1>
      %masked_sort3A_198, %masked_sort3A_199, %masked_sort3A_200 = tpu.sort %select_n3A_195, %select_n3A_196 masked %masked_sort3A_197 : (vector<16xf32>, vector<16xf32>, vector<16xi1>) -> (vector<16xi1>, vector<16xf32>, vector<16xf32>)
      %add3A_201 = arith.constant 0 : i32
      %add3A_202 = vector.broadcast %add3A_201 : i32 to vector<16xi32>
      %add3A_203 = arith.addi %iota3A, %add3A_202 : vector<16xi32>
      %lt3A_204 = arith.constant 36 : i32
      %lt3A_205 = vector.broadcast %lt3A_204 : i32 to vector<16xi32>
      %lt3A_206 = arith.cmpi slt, %add3A_203, %lt3A_205 : vector<16xi32>
      %mul3A_207 = arith.constant 2 : i32
      %mul3A_208 = vector.broadcast %mul3A_207 : i32 to vector<16xi32>
      %mul3A_209 = arith.muli %add3A_203, %mul3A_208 : vector<16xi32>
      %jit3A_210 = arith.constant 0 : i32
      %broadcast_in_dim3A_211 = vector.broadcast %jit3A_210 : i32 to vector<16xi32>
      %select_n3A_212 = arith.select %lt3A_206, %mul3A_209, %broadcast_in_dim3A_211 : vector<16xi1>, vector<16xi32>
      %add3A_213 = arith.constant 0 : i32
      %add3A_214 = vector.broadcast %add3A_213 : i32 to vector<16xi32>
      %add3A_215 = arith.addi %select_n3A_212, %add3A_214 : vector<16xi32>
      %gather3A_216 = tpu.vector_load_idx %arg9[%add3A_215] : memref<288xf32, #tpu.memory_space<vmem>>[vector<16xi32>], vector<16xf32>,
      %add3A_217 = arith.constant 1 : i32
      %add3A_218 = vector.broadcast %add3A_217 : i32 to vector<16xi32>
      %add3A_219 = arith.addi %add3A_215, %add3A_218 : vector<16xi32>
      %gather3A_220 = tpu.vector_load_idx %arg9[%add3A_219] : memref<288xf32, #tpu.memory_space<vmem>>[vector<16xi32>], vector<16xf32>,
      %rem3A_221 = arith.constant 6.280000e+00 : f32
      %rem3A_222 = vector.broadcast %rem3A_221 : f32 to vector<16xf32>
      %rem3A_223 = arith.remf %masked_sort3A_194, %rem3A_222 : vector<16xf32>
      %lt3A_224 = arith.constant 0.000000e+00 : f32
      %lt3A_225 = vector.broadcast %lt3A_224 : f32 to vector<16xf32>
      %lt3A_226 = arith.cmpf olt, %rem3A_223, %lt3A_225 : vector<16xf32>
      %add3A_227 = arith.constant 6.280000e+00 : f32
      %add3A_228 = vector.broadcast %add3A_227 : f32 to vector<16xf32>
      %add3A_229 = arith.addf %rem3A_223, %add3A_228 : vector<16xf32>
      %select_n3A_230 = arith.select %lt3A_226, %add3A_229, %rem3A_223 : vector<16xi1>, vector<16xf32>
      %div3A = arith.constant 6.280000e+00 : f32
      %div3A_231 = vector.broadcast %div3A : f32 to vector<16xf32>
      %div3A_232 = arith.divf %select_n3A_230, %div3A_231 : vector<16xf32>
      %sub3A_233 = arith.subf %div3A_232, %gather3A_216 : vector<16xf32>
      %rem3A_234 = arith.constant 6.280000e+00 : f32
      %rem3A_235 = vector.broadcast %rem3A_234 : f32 to vector<16xf32>
      %rem3A_236 = arith.remf %masked_sort3A_193, %rem3A_235 : vector<16xf32>
      %lt3A_237 = arith.constant 0.000000e+00 : f32
      %lt3A_238 = vector.broadcast %lt3A_237 : f32 to vector<16xf32>
      %lt3A_239 = arith.cmpf olt, %rem3A_236, %lt3A_238 : vector<16xf32>
      %add3A_240 = arith.constant 6.280000e+00 : f32
      %add3A_241 = vector.broadcast %add3A_240 : f32 to vector<16xf32>
      %add3A_242 = arith.addf %rem3A_236, %add3A_241 : vector<16xf32>
      %select_n3A_243 = arith.select %lt3A_239, %add3A_242, %rem3A_236 : vector<16xi1>, vector<16xf32>
      %div3A_244 = arith.constant 6.280000e+00 : f32
      %div3A_245 = vector.broadcast %div3A_244 : f32 to vector<16xf32>
      %div3A_246 = arith.divf %select_n3A_243, %div3A_245 : vector<16xf32>
      %sub3A_247 = arith.subf %div3A_246, %gather3A_220 : vector<16xf32>
      %mul3A_248 = arith.mulf %sub3A_233, %sub3A_233 : vector<16xf32>
      %mul3A_249 = arith.mulf %sub3A_247, %sub3A_247 : vector<16xf32>
      %add3A_250 = arith.addf %mul3A_248, %mul3A_249 : vector<16xf32>
      %jit3A_251 = arith.constant 0.000000e+00 : f32
      %broadcast_in_dim3A_252 = vector.broadcast %jit3A_251 : f32 to vector<16xf32>
      %select_n3A_253 = arith.select %lt3A_206, %add3A_250, %broadcast_in_dim3A_252 : vector<16xi1>, vector<16xf32>
      %add3A_254 = arith.addf %broadcast_in_dim3A_2, %select_n3A_253 : vector<16xf32>
      %add3A_255 = arith.constant 16 : i32
      %add3A_256 = vector.broadcast %add3A_255 : i32 to vector<16xi32>
      %add3A_257 = arith.addi %iota3A, %add3A_256 : vector<16xi32>
      %lt3A_258 = arith.constant 36 : i32
      %lt3A_259 = vector.broadcast %lt3A_258 : i32 to vector<16xi32>
      %lt3A_260 = arith.cmpi slt, %add3A_257, %lt3A_259 : vector<16xi32>
      %mul3A_261 = arith.constant 2 : i32
      %mul3A_262 = vector.broadcast %mul3A_261 : i32 to vector<16xi32>
      %mul3A_263 = arith.muli %add3A_257, %mul3A_262 : vector<16xi32>
      %jit3A_264 = arith.constant 0 : i32
      %broadcast_in_dim3A_265 = vector.broadcast %jit3A_264 : i32 to vector<16xi32>
      %select_n3A_266 = arith.select %lt3A_260, %mul3A_263, %broadcast_in_dim3A_265 : vector<16xi1>, vector<16xi32>
      %add3A_267 = arith.constant 0 : i32
      %add3A_268 = vector.broadcast %add3A_267 : i32 to vector<16xi32>
      %add3A_269 = arith.addi %select_n3A_266, %add3A_268 : vector<16xi32>
      %gather3A_270 = tpu.vector_load_idx %arg9[%add3A_269] : memref<288xf32, #tpu.memory_space<vmem>>[vector<16xi32>], vector<16xf32>,
      %add3A_271 = arith.constant 1 : i32
      %add3A_272 = vector.broadcast %add3A_271 : i32 to vector<16xi32>
      %add3A_273 = arith.addi %add3A_269, %add3A_272 : vector<16xi32>
      %gather3A_274 = tpu.vector_load_idx %arg9[%add3A_273] : memref<288xf32, #tpu.memory_space<vmem>>[vector<16xi32>], vector<16xf32>,
      %rem3A_275 = arith.constant 6.280000e+00 : f32
      %rem3A_276 = vector.broadcast %rem3A_275 : f32 to vector<16xf32>
      %rem3A_277 = arith.remf %masked_sort3A_200, %rem3A_276 : vector<16xf32>
      %lt3A_278 = arith.constant 0.000000e+00 : f32
      %lt3A_279 = vector.broadcast %lt3A_278 : f32 to vector<16xf32>
      %lt3A_280 = arith.cmpf olt, %rem3A_277, %lt3A_279 : vector<16xf32>
      %add3A_281 = arith.constant 6.280000e+00 : f32
      %add3A_282 = vector.broadcast %add3A_281 : f32 to vector<16xf32>
      %add3A_283 = arith.addf %rem3A_277, %add3A_282 : vector<16xf32>
      %select_n3A_284 = arith.select %lt3A_280, %add3A_283, %rem3A_277 : vector<16xi1>, vector<16xf32>
      %div3A_285 = arith.constant 6.280000e+00 : f32
      %div3A_286 = vector.broadcast %div3A_285 : f32 to vector<16xf32>
      %div3A_287 = arith.divf %select_n3A_284, %div3A_286 : vector<16xf32>
      %sub3A_288 = arith.subf %div3A_287, %gather3A_270 : vector<16xf32>
      %rem3A_289 = arith.constant 6.280000e+00 : f32
      %rem3A_290 = vector.broadcast %rem3A_289 : f32 to vector<16xf32>
      %rem3A_291 = arith.remf %masked_sort3A_199, %rem3A_290 : vector<16xf32>
      %lt3A_292 = arith.constant 0.000000e+00 : f32
      %lt3A_293 = vector.broadcast %lt3A_292 : f32 to vector<16xf32>
      %lt3A_294 = arith.cmpf olt, %rem3A_291, %lt3A_293 : vector<16xf32>
      %add3A_295 = arith.constant 6.280000e+00 : f32
      %add3A_296 = vector.broadcast %add3A_295 : f32 to vector<16xf32>
      %add3A_297 = arith.addf %rem3A_291, %add3A_296 : vector<16xf32>
      %select_n3A_298 = arith.select %lt3A_294, %add3A_297, %rem3A_291 : vector<16xi1>, vector<16xf32>
      %div3A_299 = arith.constant 6.280000e+00 : f32
      %div3A_300 = vector.broadcast %div3A_299 : f32 to vector<16xf32>
      %div3A_301 = arith.divf %select_n3A_298, %div3A_300 : vector<16xf32>
      %sub3A_302 = arith.subf %div3A_301, %gather3A_274 : vector<16xf32>
      %mul3A_303 = arith.mulf %sub3A_288, %sub3A_288 : vector<16xf32>
      %mul3A_304 = arith.mulf %sub3A_302, %sub3A_302 : vector<16xf32>
      %add3A_305 = arith.addf %mul3A_303, %mul3A_304 : vector<16xf32>
      %jit3A_306 = arith.constant 0.000000e+00 : f32
      %broadcast_in_dim3A_307 = vector.broadcast %jit3A_306 : f32 to vector<16xf32>
      %select_n3A_308 = arith.select %lt3A_260, %add3A_305, %broadcast_in_dim3A_307 : vector<16xi1>, vector<16xf32>
      %add3A_309 = arith.addf %add3A_254, %select_n3A_308 : vector<16xf32>
      %add3A_310 = arith.constant 32 : i32
      %add3A_311 = vector.broadcast %add3A_310 : i32 to vector<16xi32>
      %add3A_312 = arith.addi %iota3A, %add3A_311 : vector<16xi32>
      %lt3A_313 = arith.constant 36 : i32
      %lt3A_314 = vector.broadcast %lt3A_313 : i32 to vector<16xi32>
      %lt3A_315 = arith.cmpi slt, %add3A_312, %lt3A_314 : vector<16xi32>
      %mul3A_316 = arith.constant 2 : i32
      %mul3A_317 = vector.broadcast %mul3A_316 : i32 to vector<16xi32>
      %mul3A_318 = arith.muli %add3A_312, %mul3A_317 : vector<16xi32>
      %jit3A_319 = arith.constant 0 : i32
      %broadcast_in_dim3A_320 = vector.broadcast %jit3A_319 : i32 to vector<16xi32>
      %select_n3A_321 = arith.select %lt3A_315, %mul3A_318, %broadcast_in_dim3A_320 : vector<16xi1>, vector<16xi32>
      %add3A_322 = arith.constant 0 : i32
      %add3A_323 = vector.broadcast %add3A_322 : i32 to vector<16xi32>
      %add3A_324 = arith.addi %select_n3A_321, %add3A_323 : vector<16xi32>
      %gather3A_325 = tpu.vector_load_idx %arg9[%add3A_324] : memref<288xf32, #tpu.memory_space<vmem>>[vector<16xi32>], vector<16xf32>,
      %add3A_326 = arith.constant 1 : i32
      %add3A_327 = vector.broadcast %add3A_326 : i32 to vector<16xi32>
      %add3A_328 = arith.addi %add3A_324, %add3A_327 : vector<16xi32>
      %gather3A_329 = tpu.vector_load_idx %arg9[%add3A_328] : memref<288xf32, #tpu.memory_space<vmem>>[vector<16xi32>], vector<16xf32>,
      %rem3A_330 = arith.constant 6.280000e+00 : f32
      %rem3A_331 = vector.broadcast %rem3A_330 : f32 to vector<16xf32>
      %rem3A_332 = arith.remf %masked_sort3A_177, %rem3A_331 : vector<16xf32>
      %lt3A_333 = arith.constant 0.000000e+00 : f32
      %lt3A_334 = vector.broadcast %lt3A_333 : f32 to vector<16xf32>
      %lt3A_335 = arith.cmpf olt, %rem3A_332, %lt3A_334 : vector<16xf32>
      %add3A_336 = arith.constant 6.280000e+00 : f32
      %add3A_337 = vector.broadcast %add3A_336 : f32 to vector<16xf32>
      %add3A_338 = arith.addf %rem3A_332, %add3A_337 : vector<16xf32>
      %select_n3A_339 = arith.select %lt3A_335, %add3A_338, %rem3A_332 : vector<16xi1>, vector<16xf32>
      %div3A_340 = arith.constant 6.280000e+00 : f32
      %div3A_341 = vector.broadcast %div3A_340 : f32 to vector<16xf32>
      %div3A_342 = arith.divf %select_n3A_339, %div3A_341 : vector<16xf32>
      %sub3A_343 = arith.subf %div3A_342, %gather3A_325 : vector<16xf32>
      %rem3A_344 = arith.constant 6.280000e+00 : f32
      %rem3A_345 = vector.broadcast %rem3A_344 : f32 to vector<16xf32>
      %rem3A_346 = arith.remf %masked_sort3A_176, %rem3A_345 : vector<16xf32>
      %lt3A_347 = arith.constant 0.000000e+00 : f32
      %lt3A_348 = vector.broadcast %lt3A_347 : f32 to vector<16xf32>
      %lt3A_349 = arith.cmpf olt, %rem3A_346, %lt3A_348 : vector<16xf32>
      %add3A_350 = arith.constant 6.280000e+00 : f32
      %add3A_351 = vector.broadcast %add3A_350 : f32 to vector<16xf32>
      %add3A_352 = arith.addf %rem3A_346, %add3A_351 : vector<16xf32>
      %select_n3A_353 = arith.select %lt3A_349, %add3A_352, %rem3A_346 : vector<16xi1>, vector<16xf32>
      %div3A_354 = arith.constant 6.280000e+00 : f32
      %div3A_355 = vector.broadcast %div3A_354 : f32 to vector<16xf32>
      %div3A_356 = arith.divf %select_n3A_353, %div3A_355 : vector<16xf32>
      %sub3A_357 = arith.subf %div3A_356, %gather3A_329 : vector<16xf32>
      %mul3A_358 = arith.mulf %sub3A_343, %sub3A_343 : vector<16xf32>
      %mul3A_359 = arith.mulf %sub3A_357, %sub3A_357 : vector<16xf32>
      %add3A_360 = arith.addf %mul3A_358, %mul3A_359 : vector<16xf32>
      %jit3A_361 = arith.constant 0.000000e+00 : f32
      %broadcast_in_dim3A_362 = vector.broadcast %jit3A_361 : f32 to vector<16xf32>
      %select_n3A_363 = arith.select %lt3A_315, %add3A_360, %broadcast_in_dim3A_362 : vector<16xi1>, vector<16xf32>
      %add3A_364 = arith.addf %add3A_309, %select_n3A_363 : vector<16xf32>
      %add3A_365 = arith.constant 0 : i32
      %add3A_366 = vector.broadcast %add3A_365 : i32 to vector<16xi32>
      %add3A_367 = arith.addi %iota3A, %add3A_366 : vector<16xi32>
      %lt3A_368 = arith.constant 36 : i32
      %lt3A_369 = vector.broadcast %lt3A_368 : i32 to vector<16xi32>
      %lt3A_370 = arith.cmpi slt, %add3A_367, %lt3A_369 : vector<16xi32>
      %mul3A_371 = arith.constant 2 : i32
      %mul3A_372 = vector.broadcast %mul3A_371 : i32 to vector<16xi32>
      %mul3A_373 = arith.muli %add3A_367, %mul3A_372 : vector<16xi32>
      %gather3A_374 = tpu.vector_load_idx %arg8[%mul3A_373] : memref<128xf32, #tpu.memory_space<vmem>>[vector<16xi32>], vector<16xf32>,
      %mul3A_375 = arith.constant 2 : i32
      %mul3A_376 = vector.broadcast %mul3A_375 : i32 to vector<16xi32>
      %mul3A_377 = arith.muli %add3A_367, %mul3A_376 : vector<16xi32>
      %add3A_378 = arith.constant 1 : i32
      %add3A_379 = vector.broadcast %add3A_378 : i32 to vector<16xi32>
      %add3A_380 = arith.addi %mul3A_377, %add3A_379 : vector<16xi32>
      %gather3A_381 = tpu.vector_load_idx %arg8[%add3A_380] : memref<128xf32, #tpu.memory_space<vmem>>[vector<16xi32>], vector<16xf32>,
      %sub3A_382 = arith.constant 1.57079637 : f32
      %sub3A_383 = vector.broadcast %sub3A_382 : f32 to vector<16xf32>
      %sub3A_384 = arith.subf %gather3A_381, %sub3A_383 : vector<16xf32>
      %rem3A_385 = arith.constant 6.28318548 : f32
      %rem3A_386 = vector.broadcast %rem3A_385 : f32 to vector<16xf32>
      %rem3A_387 = arith.remf %sub3A_384, %rem3A_386 : vector<16xf32>
      %lt3A_388 = arith.constant 0.000000e+00 : f32
      %lt3A_389 = vector.broadcast %lt3A_388 : f32 to vector<16xf32>
      %lt3A_390 = arith.cmpf olt, %rem3A_387, %lt3A_389 : vector<16xf32>
      %add3A_391 = arith.constant 6.28318548 : f32
      %add3A_392 = vector.broadcast %add3A_391 : f32 to vector<16xf32>
      %add3A_393 = arith.addf %rem3A_387, %add3A_392 : vector<16xf32>
      %select_n3A_394 = arith.select %lt3A_390, %add3A_393, %rem3A_387 : vector<16xi1>, vector<16xf32>
      %lt3A_395 = arith.constant 0.52359879 : f32
      %lt3A_396 = vector.broadcast %lt3A_395 : f32 to vector<16xf32>
      %lt3A_397 = arith.cmpf olt, %select_n3A_394, %lt3A_396 : vector<16xf32>
      %and3A_398 = arith.andi %lt3A_397, %lt3A_370 : vector<16xi1>
      %jit3A_399 = arith.constant 0.000000e+00 : f32
      %broadcast_in_dim3A_400 = vector.broadcast %jit3A_399 : f32 to vector<16xf32>
      %select_n3A_401 = arith.select %and3A_398, %gather3A_381, %broadcast_in_dim3A_400 : vector<16xi1>, vector<16xf32>
      %jit3A_402 = arith.constant 0.000000e+00 : f32
      %broadcast_in_dim3A_403 = vector.broadcast %jit3A_402 : f32 to vector<16xf32>
      %select_n3A_404 = arith.select %and3A_398, %gather3A_374, %broadcast_in_dim3A_403 : vector<16xi1>, vector<16xf32>
      %jit3A_405 = arith.constant 0x7F800000 : f32
      %broadcast_in_dim3A_406 = vector.broadcast %jit3A_405 : f32 to vector<16xf32>
      %select_n3A_407 = arith.select %lt3A_370, %select_n3A_401, %broadcast_in_dim3A_406 : vector<16xi1>, vector<16xf32>
      %masked_sort3A_408 = arith.constant dense<true> : vector<16xi1>
      %masked_sort3A_409, %masked_sort3A_410, %masked_sort3A_411 = tpu.sort %select_n3A_407, %select_n3A_404 masked %masked_sort3A_408 : (vector<16xf32>, vector<16xf32>, vector<16xi1>) -> (vector<16xi1>, vector<16xf32>, vector<16xf32>)
      %add3A_412 = arith.constant 16 : i32
      %add3A_413 = vector.broadcast %add3A_412 : i32 to vector<16xi32>
      %add3A_414 = arith.addi %iota3A, %add3A_413 : vector<16xi32>
      %lt3A_415 = arith.constant 36 : i32
      %lt3A_416 = vector.broadcast %lt3A_415 : i32 to vector<16xi32>
      %lt3A_417 = arith.cmpi slt, %add3A_414, %lt3A_416 : vector<16xi32>
      %mul3A_418 = arith.constant 2 : i32
      %mul3A_419 = vector.broadcast %mul3A_418 : i32 to vector<16xi32>
      %mul3A_420 = arith.muli %add3A_414, %mul3A_419 : vector<16xi32>
      %gather3A_421 = tpu.vector_load_idx %arg8[%mul3A_420] : memref<128xf32, #tpu.memory_space<vmem>>[vector<16xi32>], vector<16xf32>,
      %mul3A_422 = arith.constant 2 : i32
      %mul3A_423 = vector.broadcast %mul3A_422 : i32 to vector<16xi32>
      %mul3A_424 = arith.muli %add3A_414, %mul3A_423 : vector<16xi32>
      %add3A_425 = arith.constant 1 : i32
      %add3A_426 = vector.broadcast %add3A_425 : i32 to vector<16xi32>
      %add3A_427 = arith.addi %mul3A_424, %add3A_426 : vector<16xi32>
      %gather3A_428 = tpu.vector_load_idx %arg8[%add3A_427] : memref<128xf32, #tpu.memory_space<vmem>>[vector<16xi32>], vector<16xf32>,
      %sub3A_429 = arith.constant 1.57079637 : f32
      %sub3A_430 = vector.broadcast %sub3A_429 : f32 to vector<16xf32>
      %sub3A_431 = arith.subf %gather3A_428, %sub3A_430 : vector<16xf32>
      %rem3A_432 = arith.constant 6.28318548 : f32
      %rem3A_433 = vector.broadcast %rem3A_432 : f32 to vector<16xf32>
      %rem3A_434 = arith.remf %sub3A_431, %rem3A_433 : vector<16xf32>
      %lt3A_435 = arith.constant 0.000000e+00 : f32
      %lt3A_436 = vector.broadcast %lt3A_435 : f32 to vector<16xf32>
      %lt3A_437 = arith.cmpf olt, %rem3A_434, %lt3A_436 : vector<16xf32>
      %add3A_438 = arith.constant 6.28318548 : f32
      %add3A_439 = vector.broadcast %add3A_438 : f32 to vector<16xf32>
      %add3A_440 = arith.addf %rem3A_434, %add3A_439 : vector<16xf32>
      %select_n3A_441 = arith.select %lt3A_437, %add3A_440, %rem3A_434 : vector<16xi1>, vector<16xf32>
      %lt3A_442 = arith.constant 0.52359879 : f32
      %lt3A_443 = vector.broadcast %lt3A_442 : f32 to vector<16xf32>
      %lt3A_444 = arith.cmpf olt, %select_n3A_441, %lt3A_443 : vector<16xf32>
      %and3A_445 = arith.andi %lt3A_444, %lt3A_417 : vector<16xi1>
      %jit3A_446 = arith.constant 0.000000e+00 : f32
      %broadcast_in_dim3A_447 = vector.broadcast %jit3A_446 : f32 to vector<16xf32>
      %select_n3A_448 = arith.select %and3A_445, %gather3A_428, %broadcast_in_dim3A_447 : vector<16xi1>, vector<16xf32>
      %jit3A_449 = arith.constant 0.000000e+00 : f32
      %broadcast_in_dim3A_450 = vector.broadcast %jit3A_449 : f32 to vector<16xf32>
      %select_n3A_451 = arith.select %and3A_445, %gather3A_421, %broadcast_in_dim3A_450 : vector<16xi1>, vector<16xf32>
      %jit3A_452 = arith.constant 0x7F800000 : f32
      %broadcast_in_dim3A_453 = vector.broadcast %jit3A_452 : f32 to vector<16xf32>
      %select_n3A_454 = arith.select %lt3A_417, %select_n3A_448, %broadcast_in_dim3A_453 : vector<16xi1>, vector<16xf32>
      %masked_sort3A_455 = arith.constant dense<true> : vector<16xi1>
      %masked_sort3A_456, %masked_sort3A_457, %masked_sort3A_458 = tpu.sort %select_n3A_454, %select_n3A_451 masked %masked_sort3A_455 : (vector<16xf32>, vector<16xf32>, vector<16xi1>) -> (vector<16xi1>, vector<16xf32>, vector<16xf32>)
      %add3A_459 = arith.constant 32 : i32
      %add3A_460 = vector.broadcast %add3A_459 : i32 to vector<16xi32>
      %add3A_461 = arith.addi %iota3A, %add3A_460 : vector<16xi32>
      %lt3A_462 = arith.constant 36 : i32
      %lt3A_463 = vector.broadcast %lt3A_462 : i32 to vector<16xi32>
      %lt3A_464 = arith.cmpi slt, %add3A_461, %lt3A_463 : vector<16xi32>
      %mul3A_465 = arith.constant 2 : i32
      %mul3A_466 = vector.broadcast %mul3A_465 : i32 to vector<16xi32>
      %mul3A_467 = arith.muli %add3A_461, %mul3A_466 : vector<16xi32>
      %gather3A_468 = tpu.vector_load_idx %arg8[%mul3A_467] : memref<128xf32, #tpu.memory_space<vmem>>[vector<16xi32>], vector<16xf32>,
      %mul3A_469 = arith.constant 2 : i32
      %mul3A_470 = vector.broadcast %mul3A_469 : i32 to vector<16xi32>
      %mul3A_471 = arith.muli %add3A_461, %mul3A_470 : vector<16xi32>
      %add3A_472 = arith.constant 1 : i32
      %add3A_473 = vector.broadcast %add3A_472 : i32 to vector<16xi32>
      %add3A_474 = arith.addi %mul3A_471, %add3A_473 : vector<16xi32>
      %gather3A_475 = tpu.vector_load_idx %arg8[%add3A_474] : memref<128xf32, #tpu.memory_space<vmem>>[vector<16xi32>], vector<16xf32>,
      %sub3A_476 = arith.constant 1.57079637 : f32
      %sub3A_477 = vector.broadcast %sub3A_476 : f32 to vector<16xf32>
      %sub3A_478 = arith.subf %gather3A_475, %sub3A_477 : vector<16xf32>
      %rem3A_479 = arith.constant 6.28318548 : f32
      %rem3A_480 = vector.broadcast %rem3A_479 : f32 to vector<16xf32>
      %rem3A_481 = arith.remf %sub3A_478, %rem3A_480 : vector<16xf32>
      %lt3A_482 = arith.constant 0.000000e+00 : f32
      %lt3A_483 = vector.broadcast %lt3A_482 : f32 to vector<16xf32>
      %lt3A_484 = arith.cmpf olt, %rem3A_481, %lt3A_483 : vector<16xf32>
      %add3A_485 = arith.constant 6.28318548 : f32
      %add3A_486 = vector.broadcast %add3A_485 : f32 to vector<16xf32>
      %add3A_487 = arith.addf %rem3A_481, %add3A_486 : vector<16xf32>
      %select_n3A_488 = arith.select %lt3A_484, %add3A_487, %rem3A_481 : vector<16xi1>, vector<16xf32>
      %lt3A_489 = arith.constant 0.52359879 : f32
      %lt3A_490 = vector.broadcast %lt3A_489 : f32 to vector<16xf32>
      %lt3A_491 = arith.cmpf olt, %select_n3A_488, %lt3A_490 : vector<16xf32>
      %and3A_492 = arith.andi %lt3A_491, %lt3A_464 : vector<16xi1>
      %jit3A_493 = arith.constant 0.000000e+00 : f32
      %broadcast_in_dim3A_494 = vector.broadcast %jit3A_493 : f32 to vector<16xf32>
      %select_n3A_495 = arith.select %and3A_492, %gather3A_475, %broadcast_in_dim3A_494 : vector<16xi1>, vector<16xf32>
      %jit3A_496 = arith.constant 0.000000e+00 : f32
      %broadcast_in_dim3A_497 = vector.broadcast %jit3A_496 : f32 to vector<16xf32>
      %select_n3A_498 = arith.select %and3A_492, %gather3A_468, %broadcast_in_dim3A_497 : vector<16xi1>, vector<16xf32>
      %jit3A_499 = arith.constant 0x7F800000 : f32
      %broadcast_in_dim3A_500 = vector.broadcast %jit3A_499 : f32 to vector<16xf32>
      %select_n3A_501 = arith.select %lt3A_464, %select_n3A_495, %broadcast_in_dim3A_500 : vector<16xi1>, vector<16xf32>
      %masked_sort3A_502 = arith.constant dense<true> : vector<16xi1>
      %masked_sort3A_503, %masked_sort3A_504, %masked_sort3A_505 = tpu.sort %select_n3A_501, %select_n3A_498 masked %masked_sort3A_502 : (vector<16xf32>, vector<16xf32>, vector<16xi1>) -> (vector<16xi1>, vector<16xf32>, vector<16xf32>)
      %rev3A_506 = arith.constant 15 : i32
      %rev3A_507 = vector.broadcast %rev3A_506 : i32 to vector<16xi32>
      %rev3A_508 = tpu.iota {dimensions = array<i32: 0>} : vector<16xi32>
      %rev3A_509 = arith.subi %rev3A_507, %rev3A_508 : vector<16xi32>
      %rev3A_510 = tpu.dynamic_gather %masked_sort3A_457[%rev3A_509] in [0] : vector<16xf32>, vector<16xi32> -> vector<16xf32>
      %rev3A_511 = arith.constant 15 : i32
      %rev3A_512 = vector.broadcast %rev3A_511 : i32 to vector<16xi32>
      %rev3A_513 = tpu.iota {dimensions = array<i32: 0>} : vector<16xi32>
      %rev3A_514 = arith.subi %rev3A_512, %rev3A_513 : vector<16xi32>
      %rev3A_515 = tpu.dynamic_gather %masked_sort3A_458[%rev3A_514] in [0] : vector<16xf32>, vector<16xi32> -> vector<16xf32>
      %le3A_516 = arith.cmpf ole, %masked_sort3A_410, %rev3A_510 : vector<16xf32>
      %select_n3A_517 = arith.select %le3A_516, %masked_sort3A_410, %rev3A_510 : vector<16xi1>, vector<16xf32>
      %select_n3A_518 = arith.select %le3A_516, %masked_sort3A_411, %rev3A_515 : vector<16xi1>, vector<16xf32>
      %masked_sort3A_519 = arith.constant dense<true> : vector<16xi1>
      %masked_sort3A_520, %masked_sort3A_521, %masked_sort3A_522 = tpu.sort %select_n3A_517, %select_n3A_518 masked %masked_sort3A_519 : (vector<16xf32>, vector<16xf32>, vector<16xi1>) -> (vector<16xi1>, vector<16xf32>, vector<16xf32>)
      %select_n3A_523 = arith.select %le3A_516, %rev3A_510, %masked_sort3A_410 : vector<16xi1>, vector<16xf32>
      %select_n3A_524 = arith.select %le3A_516, %rev3A_515, %masked_sort3A_411 : vector<16xi1>, vector<16xf32>
      %masked_sort3A_525 = arith.constant dense<true> : vector<16xi1>
      %masked_sort3A_526, %masked_sort3A_527, %masked_sort3A_528 = tpu.sort %select_n3A_523, %select_n3A_524 masked %masked_sort3A_525 : (vector<16xf32>, vector<16xf32>, vector<16xi1>) -> (vector<16xi1>, vector<16xf32>, vector<16xf32>)
      %rev3A_529 = arith.constant 15 : i32
      %rev3A_530 = vector.broadcast %rev3A_529 : i32 to vector<16xi32>
      %rev3A_531 = tpu.iota {dimensions = array<i32: 0>} : vector<16xi32>
      %rev3A_532 = arith.subi %rev3A_530, %rev3A_531 : vector<16xi32>
      %rev3A_533 = tpu.dynamic_gather %masked_sort3A_504[%rev3A_532] in [0] : vector<16xf32>, vector<16xi32> -> vector<16xf32>
      %rev3A_534 = arith.constant 15 : i32
      %rev3A_535 = vector.broadcast %rev3A_534 : i32 to vector<16xi32>
      %rev3A_536 = tpu.iota {dimensions = array<i32: 0>} : vector<16xi32>
      %rev3A_537 = arith.subi %rev3A_535, %rev3A_536 : vector<16xi32>
      %rev3A_538 = tpu.dynamic_gather %masked_sort3A_505[%rev3A_537] in [0] : vector<16xf32>, vector<16xi32> -> vector<16xf32>
      %le3A_539 = arith.cmpf ole, %masked_sort3A_527, %rev3A_533 : vector<16xf32>
      %select_n3A_540 = arith.select %le3A_539, %masked_sort3A_527, %rev3A_533 : vector<16xi1>, vector<16xf32>
      %select_n3A_541 = arith.select %le3A_539, %masked_sort3A_528, %rev3A_538 : vector<16xi1>, vector<16xf32>
      %masked_sort3A_542 = arith.constant dense<true> : vector<16xi1>
      %masked_sort3A_543, %masked_sort3A_544, %masked_sort3A_545 = tpu.sort %select_n3A_540, %select_n3A_541 masked %masked_sort3A_542 : (vector<16xf32>, vector<16xf32>, vector<16xi1>) -> (vector<16xi1>, vector<16xf32>, vector<16xf32>)
      %select_n3A_546 = arith.select %le3A_539, %rev3A_533, %masked_sort3A_527 : vector<16xi1>, vector<16xf32>
      %select_n3A_547 = arith.select %le3A_539, %rev3A_538, %masked_sort3A_528 : vector<16xi1>, vector<16xf32>
      %masked_sort3A_548 = arith.constant dense<true> : vector<16xi1>
      %masked_sort3A_549, %masked_sort3A_550, %masked_sort3A_551 = tpu.sort %select_n3A_546, %select_n3A_547 masked %masked_sort3A_548 : (vector<16xf32>, vector<16xf32>, vector<16xi1>) -> (vector<16xi1>, vector<16xf32>, vector<16xf32>)
      %rev3A_552 = arith.constant 15 : i32
      %rev3A_553 = vector.broadcast %rev3A_552 : i32 to vector<16xi32>
      %rev3A_554 = tpu.iota {dimensions = array<i32: 0>} : vector<16xi32>
      %rev3A_555 = arith.subi %rev3A_553, %rev3A_554 : vector<16xi32>
      %rev3A_556 = tpu.dynamic_gather %masked_sort3A_544[%rev3A_555] in [0] : vector<16xf32>, vector<16xi32> -> vector<16xf32>
      %rev3A_557 = arith.constant 15 : i32
      %rev3A_558 = vector.broadcast %rev3A_557 : i32 to vector<16xi32>
      %rev3A_559 = tpu.iota {dimensions = array<i32: 0>} : vector<16xi32>
      %rev3A_560 = arith.subi %rev3A_558, %rev3A_559 : vector<16xi32>
      %rev3A_561 = tpu.dynamic_gather %masked_sort3A_545[%rev3A_560] in [0] : vector<16xf32>, vector<16xi32> -> vector<16xf32>
      %le3A_562 = arith.cmpf ole, %masked_sort3A_521, %rev3A_556 : vector<16xf32>
      %select_n3A_563 = arith.select %le3A_562, %masked_sort3A_521, %rev3A_556 : vector<16xi1>, vector<16xf32>
      %select_n3A_564 = arith.select %le3A_562, %masked_sort3A_522, %rev3A_561 : vector<16xi1>, vector<16xf32>
      %masked_sort3A_565 = arith.constant dense<true> : vector<16xi1>
      %masked_sort3A_566, %masked_sort3A_567, %masked_sort3A_568 = tpu.sort %select_n3A_563, %select_n3A_564 masked %masked_sort3A_565 : (vector<16xf32>, vector<16xf32>, vector<16xi1>) -> (vector<16xi1>, vector<16xf32>, vector<16xf32>)
      %select_n3A_569 = arith.select %le3A_562, %rev3A_556, %masked_sort3A_521 : vector<16xi1>, vector<16xf32>
      %select_n3A_570 = arith.select %le3A_562, %rev3A_561, %masked_sort3A_522 : vector<16xi1>, vector<16xf32>
      %masked_sort3A_571 = arith.constant dense<true> : vector<16xi1>
      %masked_sort3A_572, %masked_sort3A_573, %masked_sort3A_574 = tpu.sort %select_n3A_569, %select_n3A_570 masked %masked_sort3A_571 : (vector<16xf32>, vector<16xf32>, vector<16xi1>) -> (vector<16xi1>, vector<16xf32>, vector<16xf32>)
      %add3A_575 = arith.constant 0 : i32
      %add3A_576 = vector.broadcast %add3A_575 : i32 to vector<16xi32>
      %add3A_577 = arith.addi %iota3A, %add3A_576 : vector<16xi32>
      %lt3A_578 = arith.constant 36 : i32
      %lt3A_579 = vector.broadcast %lt3A_578 : i32 to vector<16xi32>
      %lt3A_580 = arith.cmpi slt, %add3A_577, %lt3A_579 : vector<16xi32>
      %mul3A_581 = arith.constant 2 : i32
      %mul3A_582 = vector.broadcast %mul3A_581 : i32 to vector<16xi32>
      %mul3A_583 = arith.muli %add3A_577, %mul3A_582 : vector<16xi32>
      %jit3A_584 = arith.constant 0 : i32
      %broadcast_in_dim3A_585 = vector.broadcast %jit3A_584 : i32 to vector<16xi32>
      %select_n3A_586 = arith.select %lt3A_580, %mul3A_583, %broadcast_in_dim3A_585 : vector<16xi1>, vector<16xi32>
      %add3A_587 = arith.constant 72 : i32
      %add3A_588 = vector.broadcast %add3A_587 : i32 to vector<16xi32>
      %add3A_589 = arith.addi %select_n3A_586, %add3A_588 : vector<16xi32>
      %gather3A_590 = tpu.vector_load_idx %arg9[%add3A_589] : memref<288xf32, #tpu.memory_space<vmem>>[vector<16xi32>], vector<16xf32>,
      %add3A_591 = arith.constant 1 : i32
      %add3A_592 = vector.broadcast %add3A_591 : i32 to vector<16xi32>
      %add3A_593 = arith.addi %add3A_589, %add3A_592 : vector<16xi32>
      %gather3A_594 = tpu.vector_load_idx %arg9[%add3A_593] : memref<288xf32, #tpu.memory_space<vmem>>[vector<16xi32>], vector<16xf32>,
      %rem3A_595 = arith.constant 6.280000e+00 : f32
      %rem3A_596 = vector.broadcast %rem3A_595 : f32 to vector<16xf32>
      %rem3A_597 = arith.remf %masked_sort3A_568, %rem3A_596 : vector<16xf32>
      %lt3A_598 = arith.constant 0.000000e+00 : f32
      %lt3A_599 = vector.broadcast %lt3A_598 : f32 to vector<16xf32>
      %lt3A_600 = arith.cmpf olt, %rem3A_597, %lt3A_599 : vector<16xf32>
      %add3A_601 = arith.constant 6.280000e+00 : f32
      %add3A_602 = vector.broadcast %add3A_601 : f32 to vector<16xf32>
      %add3A_603 = arith.addf %rem3A_597, %add3A_602 : vector<16xf32>
      %select_n3A_604 = arith.select %lt3A_600, %add3A_603, %rem3A_597 : vector<16xi1>, vector<16xf32>
      %div3A_605 = arith.constant 6.280000e+00 : f32
      %div3A_606 = vector.broadcast %div3A_605 : f32 to vector<16xf32>
      %div3A_607 = arith.divf %select_n3A_604, %div3A_606 : vector<16xf32>
      %sub3A_608 = arith.subf %div3A_607, %gather3A_590 : vector<16xf32>
      %rem3A_609 = arith.constant 6.280000e+00 : f32
      %rem3A_610 = vector.broadcast %rem3A_609 : f32 to vector<16xf32>
      %rem3A_611 = arith.remf %masked_sort3A_567, %rem3A_610 : vector<16xf32>
      %lt3A_612 = arith.constant 0.000000e+00 : f32
      %lt3A_613 = vector.broadcast %lt3A_612 : f32 to vector<16xf32>
      %lt3A_614 = arith.cmpf olt, %rem3A_611, %lt3A_613 : vector<16xf32>
      %add3A_615 = arith.constant 6.280000e+00 : f32
      %add3A_616 = vector.broadcast %add3A_615 : f32 to vector<16xf32>
      %add3A_617 = arith.addf %rem3A_611, %add3A_616 : vector<16xf32>
      %select_n3A_618 = arith.select %lt3A_614, %add3A_617, %rem3A_611 : vector<16xi1>, vector<16xf32>
      %div3A_619 = arith.constant 6.280000e+00 : f32
      %div3A_620 = vector.broadcast %div3A_619 : f32 to vector<16xf32>
      %div3A_621 = arith.divf %select_n3A_618, %div3A_620 : vector<16xf32>
      %sub3A_622 = arith.subf %div3A_621, %gather3A_594 : vector<16xf32>
      %mul3A_623 = arith.mulf %sub3A_608, %sub3A_608 : vector<16xf32>
      %mul3A_624 = arith.mulf %sub3A_622, %sub3A_622 : vector<16xf32>
      %add3A_625 = arith.addf %mul3A_623, %mul3A_624 : vector<16xf32>
      %jit3A_626 = arith.constant 0.000000e+00 : f32
      %broadcast_in_dim3A_627 = vector.broadcast %jit3A_626 : f32 to vector<16xf32>
      %select_n3A_628 = arith.select %lt3A_580, %add3A_625, %broadcast_in_dim3A_627 : vector<16xi1>, vector<16xf32>
      %add3A_629 = arith.addf %add3A_364, %select_n3A_628 : vector<16xf32>
      %add3A_630 = arith.constant 16 : i32
      %add3A_631 = vector.broadcast %add3A_630 : i32 to vector<16xi32>
      %add3A_632 = arith.addi %iota3A, %add3A_631 : vector<16xi32>
      %lt3A_633 = arith.constant 36 : i32
      %lt3A_634 = vector.broadcast %lt3A_633 : i32 to vector<16xi32>
      %lt3A_635 = arith.cmpi slt, %add3A_632, %lt3A_634 : vector<16xi32>
      %mul3A_636 = arith.constant 2 : i32
      %mul3A_637 = vector.broadcast %mul3A_636 : i32 to vector<16xi32>
      %mul3A_638 = arith.muli %add3A_632, %mul3A_637 : vector<16xi32>
      %jit3A_639 = arith.constant 0 : i32
      %broadcast_in_dim3A_640 = vector.broadcast %jit3A_639 : i32 to vector<16xi32>
      %select_n3A_641 = arith.select %lt3A_635, %mul3A_638, %broadcast_in_dim3A_640 : vector<16xi1>, vector<16xi32>
      %add3A_642 = arith.constant 72 : i32
      %add3A_643 = vector.broadcast %add3A_642 : i32 to vector<16xi32>
      %add3A_644 = arith.addi %select_n3A_641, %add3A_643 : vector<16xi32>
      %gather3A_645 = tpu.vector_load_idx %arg9[%add3A_644] : memref<288xf32, #tpu.memory_space<vmem>>[vector<16xi32>], vector<16xf32>,
      %add3A_646 = arith.constant 1 : i32
      %add3A_647 = vector.broadcast %add3A_646 : i32 to vector<16xi32>
      %add3A_648 = arith.addi %add3A_644, %add3A_647 : vector<16xi32>
      %gather3A_649 = tpu.vector_load_idx %arg9[%add3A_648] : memref<288xf32, #tpu.memory_space<vmem>>[vector<16xi32>], vector<16xf32>,
      %rem3A_650 = arith.constant 6.280000e+00 : f32
      %rem3A_651 = vector.broadcast %rem3A_650 : f32 to vector<16xf32>
      %rem3A_652 = arith.remf %masked_sort3A_574, %rem3A_651 : vector<16xf32>
      %lt3A_653 = arith.constant 0.000000e+00 : f32
      %lt3A_654 = vector.broadcast %lt3A_653 : f32 to vector<16xf32>
      %lt3A_655 = arith.cmpf olt, %rem3A_652, %lt3A_654 : vector<16xf32>
      %add3A_656 = arith.constant 6.280000e+00 : f32
      %add3A_657 = vector.broadcast %add3A_656 : f32 to vector<16xf32>
      %add3A_658 = arith.addf %rem3A_652, %add3A_657 : vector<16xf32>
      %select_n3A_659 = arith.select %lt3A_655, %add3A_658, %rem3A_652 : vector<16xi1>, vector<16xf32>
      %div3A_660 = arith.constant 6.280000e+00 : f32
      %div3A_661 = vector.broadcast %div3A_660 : f32 to vector<16xf32>
      %div3A_662 = arith.divf %select_n3A_659, %div3A_661 : vector<16xf32>
      %sub3A_663 = arith.subf %div3A_662, %gather3A_645 : vector<16xf32>
      %rem3A_664 = arith.constant 6.280000e+00 : f32
      %rem3A_665 = vector.broadcast %rem3A_664 : f32 to vector<16xf32>
      %rem3A_666 = arith.remf %masked_sort3A_573, %rem3A_665 : vector<16xf32>
      %lt3A_667 = arith.constant 0.000000e+00 : f32
      %lt3A_668 = vector.broadcast %lt3A_667 : f32 to vector<16xf32>
      %lt3A_669 = arith.cmpf olt, %rem3A_666, %lt3A_668 : vector<16xf32>
      %add3A_670 = arith.constant 6.280000e+00 : f32
      %add3A_671 = vector.broadcast %add3A_670 : f32 to vector<16xf32>
      %add3A_672 = arith.addf %rem3A_666, %add3A_671 : vector<16xf32>
      %select_n3A_673 = arith.select %lt3A_669, %add3A_672, %rem3A_666 : vector<16xi1>, vector<16xf32>
      %div3A_674 = arith.constant 6.280000e+00 : f32
      %div3A_675 = vector.broadcast %div3A_674 : f32 to vector<16xf32>
      %div3A_676 = arith.divf %select_n3A_673, %div3A_675 : vector<16xf32>
      %sub3A_677 = arith.subf %div3A_676, %gather3A_649 : vector<16xf32>
      %mul3A_678 = arith.mulf %sub3A_663, %sub3A_663 : vector<16xf32>
      %mul3A_679 = arith.mulf %sub3A_677, %sub3A_677 : vector<16xf32>
      %add3A_680 = arith.addf %mul3A_678, %mul3A_679 : vector<16xf32>
      %jit3A_681 = arith.constant 0.000000e+00 : f32
      %broadcast_in_dim3A_682 = vector.broadcast %jit3A_681 : f32 to vector<16xf32>
      %select_n3A_683 = arith.select %lt3A_635, %add3A_680, %broadcast_in_dim3A_682 : vector<16xi1>, vector<16xf32>
      %add3A_684 = arith.addf %add3A_629, %select_n3A_683 : vector<16xf32>
      %add3A_685 = arith.constant 32 : i32
      %add3A_686 = vector.broadcast %add3A_685 : i32 to vector<16xi32>
      %add3A_687 = arith.addi %iota3A, %add3A_686 : vector<16xi32>
      %lt3A_688 = arith.constant 36 : i32
      %lt3A_689 = vector.broadcast %lt3A_688 : i32 to vector<16xi32>
      %lt3A_690 = arith.cmpi slt, %add3A_687, %lt3A_689 : vector<16xi32>
      %mul3A_691 = arith.constant 2 : i32
      %mul3A_692 = vector.broadcast %mul3A_691 : i32 to vector<16xi32>
      %mul3A_693 = arith.muli %add3A_687, %mul3A_692 : vector<16xi32>
      %jit3A_694 = arith.constant 0 : i32
      %broadcast_in_dim3A_695 = vector.broadcast %jit3A_694 : i32 to vector<16xi32>
      %select_n3A_696 = arith.select %lt3A_690, %mul3A_693, %broadcast_in_dim3A_695 : vector<16xi1>, vector<16xi32>
      %add3A_697 = arith.constant 72 : i32
      %add3A_698 = vector.broadcast %add3A_697 : i32 to vector<16xi32>
      %add3A_699 = arith.addi %select_n3A_696, %add3A_698 : vector<16xi32>
      %gather3A_700 = tpu.vector_load_idx %arg9[%add3A_699] : memref<288xf32, #tpu.memory_space<vmem>>[vector<16xi32>], vector<16xf32>,
      %add3A_701 = arith.constant 1 : i32
      %add3A_702 = vector.broadcast %add3A_701 : i32 to vector<16xi32>
      %add3A_703 = arith.addi %add3A_699, %add3A_702 : vector<16xi32>
      %gather3A_704 = tpu.vector_load_idx %arg9[%add3A_703] : memref<288xf32, #tpu.memory_space<vmem>>[vector<16xi32>], vector<16xf32>,
      %rem3A_705 = arith.constant 6.280000e+00 : f32
      %rem3A_706 = vector.broadcast %rem3A_705 : f32 to vector<16xf32>
      %rem3A_707 = arith.remf %masked_sort3A_551, %rem3A_706 : vector<16xf32>
      %lt3A_708 = arith.constant 0.000000e+00 : f32
      %lt3A_709 = vector.broadcast %lt3A_708 : f32 to vector<16xf32>
      %lt3A_710 = arith.cmpf olt, %rem3A_707, %lt3A_709 : vector<16xf32>
      %add3A_711 = arith.constant 6.280000e+00 : f32
      %add3A_712 = vector.broadcast %add3A_711 : f32 to vector<16xf32>
      %add3A_713 = arith.addf %rem3A_707, %add3A_712 : vector<16xf32>
      %select_n3A_714 = arith.select %lt3A_710, %add3A_713, %rem3A_707 : vector<16xi1>, vector<16xf32>
      %div3A_715 = arith.constant 6.280000e+00 : f32
      %div3A_716 = vector.broadcast %div3A_715 : f32 to vector<16xf32>
      %div3A_717 = arith.divf %select_n3A_714, %div3A_716 : vector<16xf32>
      %sub3A_718 = arith.subf %div3A_717, %gather3A_700 : vector<16xf32>
      %rem3A_719 = arith.constant 6.280000e+00 : f32
      %rem3A_720 = vector.broadcast %rem3A_719 : f32 to vector<16xf32>
      %rem3A_721 = arith.remf %masked_sort3A_550, %rem3A_720 : vector<16xf32>
      %lt3A_722 = arith.constant 0.000000e+00 : f32
      %lt3A_723 = vector.broadcast %lt3A_722 : f32 to vector<16xf32>
      %lt3A_724 = arith.cmpf olt, %rem3A_721, %lt3A_723 : vector<16xf32>
      %add3A_725 = arith.constant 6.280000e+00 : f32
      %add3A_726 = vector.broadcast %add3A_725 : f32 to vector<16xf32>
      %add3A_727 = arith.addf %rem3A_721, %add3A_726 : vector<16xf32>
      %select_n3A_728 = arith.select %lt3A_724, %add3A_727, %rem3A_721 : vector<16xi1>, vector<16xf32>
      %div3A_729 = arith.constant 6.280000e+00 : f32
      %div3A_730 = vector.broadcast %div3A_729 : f32 to vector<16xf32>
      %div3A_731 = arith.divf %select_n3A_728, %div3A_730 : vector<16xf32>
      %sub3A_732 = arith.subf %div3A_731, %gather3A_704 : vector<16xf32>
      %mul3A_733 = arith.mulf %sub3A_718, %sub3A_718 : vector<16xf32>
      %mul3A_734 = arith.mulf %sub3A_732, %sub3A_732 : vector<16xf32>
      %add3A_735 = arith.addf %mul3A_733, %mul3A_734 : vector<16xf32>
      %jit3A_736 = arith.constant 0.000000e+00 : f32
      %broadcast_in_dim3A_737 = vector.broadcast %jit3A_736 : f32 to vector<16xf32>
      %select_n3A_738 = arith.select %lt3A_690, %add3A_735, %broadcast_in_dim3A_737 : vector<16xi1>, vector<16xf32>
      %add3A_739 = arith.addf %add3A_684, %select_n3A_738 : vector<16xf32>
      %add3A_740 = arith.constant 0 : i32
      %add3A_741 = vector.broadcast %add3A_740 : i32 to vector<16xi32>
      %add3A_742 = arith.addi %iota3A, %add3A_741 : vector<16xi32>
      %lt3A_743 = arith.constant 36 : i32
      %lt3A_744 = vector.broadcast %lt3A_743 : i32 to vector<16xi32>
      %lt3A_745 = arith.cmpi slt, %add3A_742, %lt3A_744 : vector<16xi32>
      %mul3A_746 = arith.constant 2 : i32
      %mul3A_747 = vector.broadcast %mul3A_746 : i32 to vector<16xi32>
      %mul3A_748 = arith.muli %add3A_742, %mul3A_747 : vector<16xi32>
      %gather3A_749 = tpu.vector_load_idx %arg8[%mul3A_748] : memref<128xf32, #tpu.memory_space<vmem>>[vector<16xi32>], vector<16xf32>,
      %mul3A_750 = arith.constant 2 : i32
      %mul3A_751 = vector.broadcast %mul3A_750 : i32 to vector<16xi32>
      %mul3A_752 = arith.muli %add3A_742, %mul3A_751 : vector<16xi32>
      %add3A_753 = arith.constant 1 : i32
      %add3A_754 = vector.broadcast %add3A_753 : i32 to vector<16xi32>
      %add3A_755 = arith.addi %mul3A_752, %add3A_754 : vector<16xi32>
      %gather3A_756 = tpu.vector_load_idx %arg8[%add3A_755] : memref<128xf32, #tpu.memory_space<vmem>>[vector<16xi32>], vector<16xf32>,
      %sub3A_757 = arith.constant 3.14159274 : f32
      %sub3A_758 = vector.broadcast %sub3A_757 : f32 to vector<16xf32>
      %sub3A_759 = arith.subf %gather3A_756, %sub3A_758 : vector<16xf32>
      %rem3A_760 = arith.constant 6.28318548 : f32
      %rem3A_761 = vector.broadcast %rem3A_760 : f32 to vector<16xf32>
      %rem3A_762 = arith.remf %sub3A_759, %rem3A_761 : vector<16xf32>
      %lt3A_763 = arith.constant 0.000000e+00 : f32
      %lt3A_764 = vector.broadcast %lt3A_763 : f32 to vector<16xf32>
      %lt3A_765 = arith.cmpf olt, %rem3A_762, %lt3A_764 : vector<16xf32>
      %add3A_766 = arith.constant 6.28318548 : f32
      %add3A_767 = vector.broadcast %add3A_766 : f32 to vector<16xf32>
      %add3A_768 = arith.addf %rem3A_762, %add3A_767 : vector<16xf32>
      %select_n3A_769 = arith.select %lt3A_765, %add3A_768, %rem3A_762 : vector<16xi1>, vector<16xf32>
      %lt3A_770 = arith.constant 0.52359879 : f32
      %lt3A_771 = vector.broadcast %lt3A_770 : f32 to vector<16xf32>
      %lt3A_772 = arith.cmpf olt, %select_n3A_769, %lt3A_771 : vector<16xf32>
      %and3A_773 = arith.andi %lt3A_772, %lt3A_745 : vector<16xi1>
      %jit3A_774 = arith.constant 0.000000e+00 : f32
      %broadcast_in_dim3A_775 = vector.broadcast %jit3A_774 : f32 to vector<16xf32>
      %select_n3A_776 = arith.select %and3A_773, %gather3A_756, %broadcast_in_dim3A_775 : vector<16xi1>, vector<16xf32>
      %jit3A_777 = arith.constant 0.000000e+00 : f32
      %broadcast_in_dim3A_778 = vector.broadcast %jit3A_777 : f32 to vector<16xf32>
      %select_n3A_779 = arith.select %and3A_773, %gather3A_749, %broadcast_in_dim3A_778 : vector<16xi1>, vector<16xf32>
      %jit3A_780 = arith.constant 0x7F800000 : f32
      %broadcast_in_dim3A_781 = vector.broadcast %jit3A_780 : f32 to vector<16xf32>
      %select_n3A_782 = arith.select %lt3A_745, %select_n3A_776, %broadcast_in_dim3A_781 : vector<16xi1>, vector<16xf32>
      %masked_sort3A_783 = arith.constant dense<true> : vector<16xi1>
      %masked_sort3A_784, %masked_sort3A_785, %masked_sort3A_786 = tpu.sort %select_n3A_782, %select_n3A_779 masked %masked_sort3A_783 : (vector<16xf32>, vector<16xf32>, vector<16xi1>) -> (vector<16xi1>, vector<16xf32>, vector<16xf32>)
      %add3A_787 = arith.constant 16 : i32
      %add3A_788 = vector.broadcast %add3A_787 : i32 to vector<16xi32>
      %add3A_789 = arith.addi %iota3A, %add3A_788 : vector<16xi32>
      %lt3A_790 = arith.constant 36 : i32
      %lt3A_791 = vector.broadcast %lt3A_790 : i32 to vector<16xi32>
      %lt3A_792 = arith.cmpi slt, %add3A_789, %lt3A_791 : vector<16xi32>
      %mul3A_793 = arith.constant 2 : i32
      %mul3A_794 = vector.broadcast %mul3A_793 : i32 to vector<16xi32>
      %mul3A_795 = arith.muli %add3A_789, %mul3A_794 : vector<16xi32>
      %gather3A_796 = tpu.vector_load_idx %arg8[%mul3A_795] : memref<128xf32, #tpu.memory_space<vmem>>[vector<16xi32>], vector<16xf32>,
      %mul3A_797 = arith.constant 2 : i32
      %mul3A_798 = vector.broadcast %mul3A_797 : i32 to vector<16xi32>
      %mul3A_799 = arith.muli %add3A_789, %mul3A_798 : vector<16xi32>
      %add3A_800 = arith.constant 1 : i32
      %add3A_801 = vector.broadcast %add3A_800 : i32 to vector<16xi32>
      %add3A_802 = arith.addi %mul3A_799, %add3A_801 : vector<16xi32>
      %gather3A_803 = tpu.vector_load_idx %arg8[%add3A_802] : memref<128xf32, #tpu.memory_space<vmem>>[vector<16xi32>], vector<16xf32>,
      %sub3A_804 = arith.constant 3.14159274 : f32
      %sub3A_805 = vector.broadcast %sub3A_804 : f32 to vector<16xf32>
      %sub3A_806 = arith.subf %gather3A_803, %sub3A_805 : vector<16xf32>
      %rem3A_807 = arith.constant 6.28318548 : f32
      %rem3A_808 = vector.broadcast %rem3A_807 : f32 to vector<16xf32>
      %rem3A_809 = arith.remf %sub3A_806, %rem3A_808 : vector<16xf32>
      %lt3A_810 = arith.constant 0.000000e+00 : f32
      %lt3A_811 = vector.broadcast %lt3A_810 : f32 to vector<16xf32>
      %lt3A_812 = arith.cmpf olt, %rem3A_809, %lt3A_811 : vector<16xf32>
      %add3A_813 = arith.constant 6.28318548 : f32
      %add3A_814 = vector.broadcast %add3A_813 : f32 to vector<16xf32>
      %add3A_815 = arith.addf %rem3A_809, %add3A_814 : vector<16xf32>
      %select_n3A_816 = arith.select %lt3A_812, %add3A_815, %rem3A_809 : vector<16xi1>, vector<16xf32>
      %lt3A_817 = arith.constant 0.52359879 : f32
      %lt3A_818 = vector.broadcast %lt3A_817 : f32 to vector<16xf32>
      %lt3A_819 = arith.cmpf olt, %select_n3A_816, %lt3A_818 : vector<16xf32>
      %and3A_820 = arith.andi %lt3A_819, %lt3A_792 : vector<16xi1>
      %jit3A_821 = arith.constant 0.000000e+00 : f32
      %broadcast_in_dim3A_822 = vector.broadcast %jit3A_821 : f32 to vector<16xf32>
      %select_n3A_823 = arith.select %and3A_820, %gather3A_803, %broadcast_in_dim3A_822 : vector<16xi1>, vector<16xf32>
      %jit3A_824 = arith.constant 0.000000e+00 : f32
      %broadcast_in_dim3A_825 = vector.broadcast %jit3A_824 : f32 to vector<16xf32>
      %select_n3A_826 = arith.select %and3A_820, %gather3A_796, %broadcast_in_dim3A_825 : vector<16xi1>, vector<16xf32>
      %jit3A_827 = arith.constant 0x7F800000 : f32
      %broadcast_in_dim3A_828 = vector.broadcast %jit3A_827 : f32 to vector<16xf32>
      %select_n3A_829 = arith.select %lt3A_792, %select_n3A_823, %broadcast_in_dim3A_828 : vector<16xi1>, vector<16xf32>
      %masked_sort3A_830 = arith.constant dense<true> : vector<16xi1>
      %masked_sort3A_831, %masked_sort3A_832, %masked_sort3A_833 = tpu.sort %select_n3A_829, %select_n3A_826 masked %masked_sort3A_830 : (vector<16xf32>, vector<16xf32>, vector<16xi1>) -> (vector<16xi1>, vector<16xf32>, vector<16xf32>)
      %add3A_834 = arith.constant 32 : i32
      %add3A_835 = vector.broadcast %add3A_834 : i32 to vector<16xi32>
      %add3A_836 = arith.addi %iota3A, %add3A_835 : vector<16xi32>
      %lt3A_837 = arith.constant 36 : i32
      %lt3A_838 = vector.broadcast %lt3A_837 : i32 to vector<16xi32>
      %lt3A_839 = arith.cmpi slt, %add3A_836, %lt3A_838 : vector<16xi32>
      %mul3A_840 = arith.constant 2 : i32
      %mul3A_841 = vector.broadcast %mul3A_840 : i32 to vector<16xi32>
      %mul3A_842 = arith.muli %add3A_836, %mul3A_841 : vector<16xi32>
      %gather3A_843 = tpu.vector_load_idx %arg8[%mul3A_842] : memref<128xf32, #tpu.memory_space<vmem>>[vector<16xi32>], vector<16xf32>,
      %mul3A_844 = arith.constant 2 : i32
      %mul3A_845 = vector.broadcast %mul3A_844 : i32 to vector<16xi32>
      %mul3A_846 = arith.muli %add3A_836, %mul3A_845 : vector<16xi32>
      %add3A_847 = arith.constant 1 : i32
      %add3A_848 = vector.broadcast %add3A_847 : i32 to vector<16xi32>
      %add3A_849 = arith.addi %mul3A_846, %add3A_848 : vector<16xi32>
      %gather3A_850 = tpu.vector_load_idx %arg8[%add3A_849] : memref<128xf32, #tpu.memory_space<vmem>>[vector<16xi32>], vector<16xf32>,
      %sub3A_851 = arith.constant 3.14159274 : f32
      %sub3A_852 = vector.broadcast %sub3A_851 : f32 to vector<16xf32>
      %sub3A_853 = arith.subf %gather3A_850, %sub3A_852 : vector<16xf32>
      %rem3A_854 = arith.constant 6.28318548 : f32
      %rem3A_855 = vector.broadcast %rem3A_854 : f32 to vector<16xf32>
      %rem3A_856 = arith.remf %sub3A_853, %rem3A_855 : vector<16xf32>
      %lt3A_857 = arith.constant 0.000000e+00 : f32
      %lt3A_858 = vector.broadcast %lt3A_857 : f32 to vector<16xf32>
      %lt3A_859 = arith.cmpf olt, %rem3A_856, %lt3A_858 : vector<16xf32>
      %add3A_860 = arith.constant 6.28318548 : f32
      %add3A_861 = vector.broadcast %add3A_860 : f32 to vector<16xf32>
      %add3A_862 = arith.addf %rem3A_856, %add3A_861 : vector<16xf32>
      %select_n3A_863 = arith.select %lt3A_859, %add3A_862, %rem3A_856 : vector<16xi1>, vector<16xf32>
      %lt3A_864 = arith.constant 0.52359879 : f32
      %lt3A_865 = vector.broadcast %lt3A_864 : f32 to vector<16xf32>
      %lt3A_866 = arith.cmpf olt, %select_n3A_863, %lt3A_865 : vector<16xf32>
      %and3A_867 = arith.andi %lt3A_866, %lt3A_839 : vector<16xi1>
      %jit3A_868 = arith.constant 0.000000e+00 : f32
      %broadcast_in_dim3A_869 = vector.broadcast %jit3A_868 : f32 to vector<16xf32>
      %select_n3A_870 = arith.select %and3A_867, %gather3A_850, %broadcast_in_dim3A_869 : vector<16xi1>, vector<16xf32>
      %jit3A_871 = arith.constant 0.000000e+00 : f32
      %broadcast_in_dim3A_872 = vector.broadcast %jit3A_871 : f32 to vector<16xf32>
      %select_n3A_873 = arith.select %and3A_867, %gather3A_843, %broadcast_in_dim3A_872 : vector<16xi1>, vector<16xf32>
      %jit3A_874 = arith.constant 0x7F800000 : f32
      %broadcast_in_dim3A_875 = vector.broadcast %jit3A_874 : f32 to vector<16xf32>
      %select_n3A_876 = arith.select %lt3A_839, %select_n3A_870, %broadcast_in_dim3A_875 : vector<16xi1>, vector<16xf32>
      %masked_sort3A_877 = arith.constant dense<true> : vector<16xi1>
      %masked_sort3A_878, %masked_sort3A_879, %masked_sort3A_880 = tpu.sort %select_n3A_876, %select_n3A_873 masked %masked_sort3A_877 : (vector<16xf32>, vector<16xf32>, vector<16xi1>) -> (vector<16xi1>, vector<16xf32>, vector<16xf32>)
      %rev3A_881 = arith.constant 15 : i32
      %rev3A_882 = vector.broadcast %rev3A_881 : i32 to vector<16xi32>
      %rev3A_883 = tpu.iota {dimensions = array<i32: 0>} : vector<16xi32>
      %rev3A_884 = arith.subi %rev3A_882, %rev3A_883 : vector<16xi32>
      %rev3A_885 = tpu.dynamic_gather %masked_sort3A_832[%rev3A_884] in [0] : vector<16xf32>, vector<16xi32> -> vector<16xf32>
      %rev3A_886 = arith.constant 15 : i32
      %rev3A_887 = vector.broadcast %rev3A_886 : i32 to vector<16xi32>
      %rev3A_888 = tpu.iota {dimensions = array<i32: 0>} : vector<16xi32>
      %rev3A_889 = arith.subi %rev3A_887, %rev3A_888 : vector<16xi32>
      %rev3A_890 = tpu.dynamic_gather %masked_sort3A_833[%rev3A_889] in [0] : vector<16xf32>, vector<16xi32> -> vector<16xf32>
      %le3A_891 = arith.cmpf ole, %masked_sort3A_785, %rev3A_885 : vector<16xf32>
      %select_n3A_892 = arith.select %le3A_891, %masked_sort3A_785, %rev3A_885 : vector<16xi1>, vector<16xf32>
      %select_n3A_893 = arith.select %le3A_891, %masked_sort3A_786, %rev3A_890 : vector<16xi1>, vector<16xf32>
      %masked_sort3A_894 = arith.constant dense<true> : vector<16xi1>
      %masked_sort3A_895, %masked_sort3A_896, %masked_sort3A_897 = tpu.sort %select_n3A_892, %select_n3A_893 masked %masked_sort3A_894 : (vector<16xf32>, vector<16xf32>, vector<16xi1>) -> (vector<16xi1>, vector<16xf32>, vector<16xf32>)
      %select_n3A_898 = arith.select %le3A_891, %rev3A_885, %masked_sort3A_785 : vector<16xi1>, vector<16xf32>
      %select_n3A_899 = arith.select %le3A_891, %rev3A_890, %masked_sort3A_786 : vector<16xi1>, vector<16xf32>
      %masked_sort3A_900 = arith.constant dense<true> : vector<16xi1>
      %masked_sort3A_901, %masked_sort3A_902, %masked_sort3A_903 = tpu.sort %select_n3A_898, %select_n3A_899 masked %masked_sort3A_900 : (vector<16xf32>, vector<16xf32>, vector<16xi1>) -> (vector<16xi1>, vector<16xf32>, vector<16xf32>)
      %rev3A_904 = arith.constant 15 : i32
      %rev3A_905 = vector.broadcast %rev3A_904 : i32 to vector<16xi32>
      %rev3A_906 = tpu.iota {dimensions = array<i32: 0>} : vector<16xi32>
      %rev3A_907 = arith.subi %rev3A_905, %rev3A_906 : vector<16xi32>
      %rev3A_908 = tpu.dynamic_gather %masked_sort3A_879[%rev3A_907] in [0] : vector<16xf32>, vector<16xi32> -> vector<16xf32>
      %rev3A_909 = arith.constant 15 : i32
      %rev3A_910 = vector.broadcast %rev3A_909 : i32 to vector<16xi32>
      %rev3A_911 = tpu.iota {dimensions = array<i32: 0>} : vector<16xi32>
      %rev3A_912 = arith.subi %rev3A_910, %rev3A_911 : vector<16xi32>
      %rev3A_913 = tpu.dynamic_gather %masked_sort3A_880[%rev3A_912] in [0] : vector<16xf32>, vector<16xi32> -> vector<16xf32>
      %le3A_914 = arith.cmpf ole, %masked_sort3A_902, %rev3A_908 : vector<16xf32>
      %select_n3A_915 = arith.select %le3A_914, %masked_sort3A_902, %rev3A_908 : vector<16xi1>, vector<16xf32>
      %select_n3A_916 = arith.select %le3A_914, %masked_sort3A_903, %rev3A_913 : vector<16xi1>, vector<16xf32>
      %masked_sort3A_917 = arith.constant dense<true> : vector<16xi1>
      %masked_sort3A_918, %masked_sort3A_919, %masked_sort3A_920 = tpu.sort %select_n3A_915, %select_n3A_916 masked %masked_sort3A_917 : (vector<16xf32>, vector<16xf32>, vector<16xi1>) -> (vector<16xi1>, vector<16xf32>, vector<16xf32>)
      %select_n3A_921 = arith.select %le3A_914, %rev3A_908, %masked_sort3A_902 : vector<16xi1>, vector<16xf32>
      %select_n3A_922 = arith.select %le3A_914, %rev3A_913, %masked_sort3A_903 : vector<16xi1>, vector<16xf32>
      %masked_sort3A_923 = arith.constant dense<true> : vector<16xi1>
      %masked_sort3A_924, %masked_sort3A_925, %masked_sort3A_926 = tpu.sort %select_n3A_921, %select_n3A_922 masked %masked_sort3A_923 : (vector<16xf32>, vector<16xf32>, vector<16xi1>) -> (vector<16xi1>, vector<16xf32>, vector<16xf32>)
      %rev3A_927 = arith.constant 15 : i32
      %rev3A_928 = vector.broadcast %rev3A_927 : i32 to vector<16xi32>
      %rev3A_929 = tpu.iota {dimensions = array<i32: 0>} : vector<16xi32>
      %rev3A_930 = arith.subi %rev3A_928, %rev3A_929 : vector<16xi32>
      %rev3A_931 = tpu.dynamic_gather %masked_sort3A_919[%rev3A_930] in [0] : vector<16xf32>, vector<16xi32> -> vector<16xf32>
      %rev3A_932 = arith.constant 15 : i32
      %rev3A_933 = vector.broadcast %rev3A_932 : i32 to vector<16xi32>
      %rev3A_934 = tpu.iota {dimensions = array<i32: 0>} : vector<16xi32>
      %rev3A_935 = arith.subi %rev3A_933, %rev3A_934 : vector<16xi32>
      %rev3A_936 = tpu.dynamic_gather %masked_sort3A_920[%rev3A_935] in [0] : vector<16xf32>, vector<16xi32> -> vector<16xf32>
      %le3A_937 = arith.cmpf ole, %masked_sort3A_896, %rev3A_931 : vector<16xf32>
      %select_n3A_938 = arith.select %le3A_937, %masked_sort3A_896, %rev3A_931 : vector<16xi1>, vector<16xf32>
      %select_n3A_939 = arith.select %le3A_937, %masked_sort3A_897, %rev3A_936 : vector<16xi1>, vector<16xf32>
      %masked_sort3A_940 = arith.constant dense<true> : vector<16xi1>
      %masked_sort3A_941, %masked_sort3A_942, %masked_sort3A_943 = tpu.sort %select_n3A_938, %select_n3A_939 masked %masked_sort3A_940 : (vector<16xf32>, vector<16xf32>, vector<16xi1>) -> (vector<16xi1>, vector<16xf32>, vector<16xf32>)
      %select_n3A_944 = arith.select %le3A_937, %rev3A_931, %masked_sort3A_896 : vector<16xi1>, vector<16xf32>
      %select_n3A_945 = arith.select %le3A_937, %rev3A_936, %masked_sort3A_897 : vector<16xi1>, vector<16xf32>
      %masked_sort3A_946 = arith.constant dense<true> : vector<16xi1>
      %masked_sort3A_947, %masked_sort3A_948, %masked_sort3A_949 = tpu.sort %select_n3A_944, %select_n3A_945 masked %masked_sort3A_946 : (vector<16xf32>, vector<16xf32>, vector<16xi1>) -> (vector<16xi1>, vector<16xf32>, vector<16xf32>)
      %add3A_950 = arith.constant 0 : i32
      %add3A_951 = vector.broadcast %add3A_950 : i32 to vector<16xi32>
      %add3A_952 = arith.addi %iota3A, %add3A_951 : vector<16xi32>
      %lt3A_953 = arith.constant 36 : i32
      %lt3A_954 = vector.broadcast %lt3A_953 : i32 to vector<16xi32>
      %lt3A_955 = arith.cmpi slt, %add3A_952, %lt3A_954 : vector<16xi32>
      %mul3A_956 = arith.constant 2 : i32
      %mul3A_957 = vector.broadcast %mul3A_956 : i32 to vector<16xi32>
      %mul3A_958 = arith.muli %add3A_952, %mul3A_957 : vector<16xi32>
      %jit3A_959 = arith.constant 0 : i32
      %broadcast_in_dim3A_960 = vector.broadcast %jit3A_959 : i32 to vector<16xi32>
      %select_n3A_961 = arith.select %lt3A_955, %mul3A_958, %broadcast_in_dim3A_960 : vector<16xi1>, vector<16xi32>
      %add3A_962 = arith.constant 144 : i32
      %add3A_963 = vector.broadcast %add3A_962 : i32 to vector<16xi32>
      %add3A_964 = arith.addi %select_n3A_961, %add3A_963 : vector<16xi32>
      %gather3A_965 = tpu.vector_load_idx %arg9[%add3A_964] : memref<288xf32, #tpu.memory_space<vmem>>[vector<16xi32>], vector<16xf32>,
      %add3A_966 = arith.constant 1 : i32
      %add3A_967 = vector.broadcast %add3A_966 : i32 to vector<16xi32>
      %add3A_968 = arith.addi %add3A_964, %add3A_967 : vector<16xi32>
      %gather3A_969 = tpu.vector_load_idx %arg9[%add3A_968] : memref<288xf32, #tpu.memory_space<vmem>>[vector<16xi32>], vector<16xf32>,
      %rem3A_970 = arith.constant 6.280000e+00 : f32
      %rem3A_971 = vector.broadcast %rem3A_970 : f32 to vector<16xf32>
      %rem3A_972 = arith.remf %masked_sort3A_943, %rem3A_971 : vector<16xf32>
      %lt3A_973 = arith.constant 0.000000e+00 : f32
      %lt3A_974 = vector.broadcast %lt3A_973 : f32 to vector<16xf32>
      %lt3A_975 = arith.cmpf olt, %rem3A_972, %lt3A_974 : vector<16xf32>
      %add3A_976 = arith.constant 6.280000e+00 : f32
      %add3A_977 = vector.broadcast %add3A_976 : f32 to vector<16xf32>
      %add3A_978 = arith.addf %rem3A_972, %add3A_977 : vector<16xf32>
      %select_n3A_979 = arith.select %lt3A_975, %add3A_978, %rem3A_972 : vector<16xi1>, vector<16xf32>
      %div3A_980 = arith.constant 6.280000e+00 : f32
      %div3A_981 = vector.broadcast %div3A_980 : f32 to vector<16xf32>
      %div3A_982 = arith.divf %select_n3A_979, %div3A_981 : vector<16xf32>
      %sub3A_983 = arith.subf %div3A_982, %gather3A_965 : vector<16xf32>
      %rem3A_984 = arith.constant 6.280000e+00 : f32
      %rem3A_985 = vector.broadcast %rem3A_984 : f32 to vector<16xf32>
      %rem3A_986 = arith.remf %masked_sort3A_942, %rem3A_985 : vector<16xf32>
      %lt3A_987 = arith.constant 0.000000e+00 : f32
      %lt3A_988 = vector.broadcast %lt3A_987 : f32 to vector<16xf32>
      %lt3A_989 = arith.cmpf olt, %rem3A_986, %lt3A_988 : vector<16xf32>
      %add3A_990 = arith.constant 6.280000e+00 : f32
      %add3A_991 = vector.broadcast %add3A_990 : f32 to vector<16xf32>
      %add3A_992 = arith.addf %rem3A_986, %add3A_991 : vector<16xf32>
      %select_n3A_993 = arith.select %lt3A_989, %add3A_992, %rem3A_986 : vector<16xi1>, vector<16xf32>
      %div3A_994 = arith.constant 6.280000e+00 : f32
      %div3A_995 = vector.broadcast %div3A_994 : f32 to vector<16xf32>
      %div3A_996 = arith.divf %select_n3A_993, %div3A_995 : vector<16xf32>
      %sub3A_997 = arith.subf %div3A_996, %gather3A_969 : vector<16xf32>
      %mul3A_998 = arith.mulf %sub3A_983, %sub3A_983 : vector<16xf32>
      %mul3A_999 = arith.mulf %sub3A_997, %sub3A_997 : vector<16xf32>
      %add3A_1000 = arith.addf %mul3A_998, %mul3A_999 : vector<16xf32>
      %jit3A_1001 = arith.constant 0.000000e+00 : f32
      %broadcast_in_dim3A_1002 = vector.broadcast %jit3A_1001 : f32 to vector<16xf32>
      %select_n3A_1003 = arith.select %lt3A_955, %add3A_1000, %broadcast_in_dim3A_1002 : vector<16xi1>, vector<16xf32>
      %add3A_1004 = arith.addf %add3A_739, %select_n3A_1003 : vector<16xf32>
      %add3A_1005 = arith.constant 16 : i32
      %add3A_1006 = vector.broadcast %add3A_1005 : i32 to vector<16xi32>
      %add3A_1007 = arith.addi %iota3A, %add3A_1006 : vector<16xi32>
      %lt3A_1008 = arith.constant 36 : i32
      %lt3A_1009 = vector.broadcast %lt3A_1008 : i32 to vector<16xi32>
      %lt3A_1010 = arith.cmpi slt, %add3A_1007, %lt3A_1009 : vector<16xi32>
      %mul3A_1011 = arith.constant 2 : i32
      %mul3A_1012 = vector.broadcast %mul3A_1011 : i32 to vector<16xi32>
      %mul3A_1013 = arith.muli %add3A_1007, %mul3A_1012 : vector<16xi32>
      %jit3A_1014 = arith.constant 0 : i32
      %broadcast_in_dim3A_1015 = vector.broadcast %jit3A_1014 : i32 to vector<16xi32>
      %select_n3A_1016 = arith.select %lt3A_1010, %mul3A_1013, %broadcast_in_dim3A_1015 : vector<16xi1>, vector<16xi32>
      %add3A_1017 = arith.constant 144 : i32
      %add3A_1018 = vector.broadcast %add3A_1017 : i32 to vector<16xi32>
      %add3A_1019 = arith.addi %select_n3A_1016, %add3A_1018 : vector<16xi32>
      %gather3A_1020 = tpu.vector_load_idx %arg9[%add3A_1019] : memref<288xf32, #tpu.memory_space<vmem>>[vector<16xi32>], vector<16xf32>,
      %add3A_1021 = arith.constant 1 : i32
      %add3A_1022 = vector.broadcast %add3A_1021 : i32 to vector<16xi32>
      %add3A_1023 = arith.addi %add3A_1019, %add3A_1022 : vector<16xi32>
      %gather3A_1024 = tpu.vector_load_idx %arg9[%add3A_1023] : memref<288xf32, #tpu.memory_space<vmem>>[vector<16xi32>], vector<16xf32>,
      %rem3A_1025 = arith.constant 6.280000e+00 : f32
      %rem3A_1026 = vector.broadcast %rem3A_1025 : f32 to vector<16xf32>
      %rem3A_1027 = arith.remf %masked_sort3A_949, %rem3A_1026 : vector<16xf32>
      %lt3A_1028 = arith.constant 0.000000e+00 : f32
      %lt3A_1029 = vector.broadcast %lt3A_1028 : f32 to vector<16xf32>
      %lt3A_1030 = arith.cmpf olt, %rem3A_1027, %lt3A_1029 : vector<16xf32>
      %add3A_1031 = arith.constant 6.280000e+00 : f32
      %add3A_1032 = vector.broadcast %add3A_1031 : f32 to vector<16xf32>
      %add3A_1033 = arith.addf %rem3A_1027, %add3A_1032 : vector<16xf32>
      %select_n3A_1034 = arith.select %lt3A_1030, %add3A_1033, %rem3A_1027 : vector<16xi1>, vector<16xf32>
      %div3A_1035 = arith.constant 6.280000e+00 : f32
      %div3A_1036 = vector.broadcast %div3A_1035 : f32 to vector<16xf32>
      %div3A_1037 = arith.divf %select_n3A_1034, %div3A_1036 : vector<16xf32>
      %sub3A_1038 = arith.subf %div3A_1037, %gather3A_1020 : vector<16xf32>
      %rem3A_1039 = arith.constant 6.280000e+00 : f32
      %rem3A_1040 = vector.broadcast %rem3A_1039 : f32 to vector<16xf32>
      %rem3A_1041 = arith.remf %masked_sort3A_948, %rem3A_1040 : vector<16xf32>
      %lt3A_1042 = arith.constant 0.000000e+00 : f32
      %lt3A_1043 = vector.broadcast %lt3A_1042 : f32 to vector<16xf32>
      %lt3A_1044 = arith.cmpf olt, %rem3A_1041, %lt3A_1043 : vector<16xf32>
      %add3A_1045 = arith.constant 6.280000e+00 : f32
      %add3A_1046 = vector.broadcast %add3A_1045 : f32 to vector<16xf32>
      %add3A_1047 = arith.addf %rem3A_1041, %add3A_1046 : vector<16xf32>
      %select_n3A_1048 = arith.select %lt3A_1044, %add3A_1047, %rem3A_1041 : vector<16xi1>, vector<16xf32>
      %div3A_1049 = arith.constant 6.280000e+00 : f32
      %div3A_1050 = vector.broadcast %div3A_1049 : f32 to vector<16xf32>
      %div3A_1051 = arith.divf %select_n3A_1048, %div3A_1050 : vector<16xf32>
      %sub3A_1052 = arith.subf %div3A_1051, %gather3A_1024 : vector<16xf32>
      %mul3A_1053 = arith.mulf %sub3A_1038, %sub3A_1038 : vector<16xf32>
      %mul3A_1054 = arith.mulf %sub3A_1052, %sub3A_1052 : vector<16xf32>
      %add3A_1055 = arith.addf %mul3A_1053, %mul3A_1054 : vector<16xf32>
      %jit3A_1056 = arith.constant 0.000000e+00 : f32
      %broadcast_in_dim3A_1057 = vector.broadcast %jit3A_1056 : f32 to vector<16xf32>
      %select_n3A_1058 = arith.select %lt3A_1010, %add3A_1055, %broadcast_in_dim3A_1057 : vector<16xi1>, vector<16xf32>
      %add3A_1059 = arith.addf %add3A_1004, %select_n3A_1058 : vector<16xf32>
      %add3A_1060 = arith.constant 32 : i32
      %add3A_1061 = vector.broadcast %add3A_1060 : i32 to vector<16xi32>
      %add3A_1062 = arith.addi %iota3A, %add3A_1061 : vector<16xi32>
      %lt3A_1063 = arith.constant 36 : i32
      %lt3A_1064 = vector.broadcast %lt3A_1063 : i32 to vector<16xi32>
      %lt3A_1065 = arith.cmpi slt, %add3A_1062, %lt3A_1064 : vector<16xi32>
      %mul3A_1066 = arith.constant 2 : i32
      %mul3A_1067 = vector.broadcast %mul3A_1066 : i32 to vector<16xi32>
      %mul3A_1068 = arith.muli %add3A_1062, %mul3A_1067 : vector<16xi32>
      %jit3A_1069 = arith.constant 0 : i32
      %broadcast_in_dim3A_1070 = vector.broadcast %jit3A_1069 : i32 to vector<16xi32>
      %select_n3A_1071 = arith.select %lt3A_1065, %mul3A_1068, %broadcast_in_dim3A_1070 : vector<16xi1>, vector<16xi32>
      %add3A_1072 = arith.constant 144 : i32
      %add3A_1073 = vector.broadcast %add3A_1072 : i32 to vector<16xi32>
      %add3A_1074 = arith.addi %select_n3A_1071, %add3A_1073 : vector<16xi32>
      %gather3A_1075 = tpu.vector_load_idx %arg9[%add3A_1074] : memref<288xf32, #tpu.memory_space<vmem>>[vector<16xi32>], vector<16xf32>,
      %add3A_1076 = arith.constant 1 : i32
      %add3A_1077 = vector.broadcast %add3A_1076 : i32 to vector<16xi32>
      %add3A_1078 = arith.addi %add3A_1074, %add3A_1077 : vector<16xi32>
      %gather3A_1079 = tpu.vector_load_idx %arg9[%add3A_1078] : memref<288xf32, #tpu.memory_space<vmem>>[vector<16xi32>], vector<16xf32>,
      %rem3A_1080 = arith.constant 6.280000e+00 : f32
      %rem3A_1081 = vector.broadcast %rem3A_1080 : f32 to vector<16xf32>
      %rem3A_1082 = arith.remf %masked_sort3A_926, %rem3A_1081 : vector<16xf32>
      %lt3A_1083 = arith.constant 0.000000e+00 : f32
      %lt3A_1084 = vector.broadcast %lt3A_1083 : f32 to vector<16xf32>
      %lt3A_1085 = arith.cmpf olt, %rem3A_1082, %lt3A_1084 : vector<16xf32>
      %add3A_1086 = arith.constant 6.280000e+00 : f32
      %add3A_1087 = vector.broadcast %add3A_1086 : f32 to vector<16xf32>
      %add3A_1088 = arith.addf %rem3A_1082, %add3A_1087 : vector<16xf32>
      %select_n3A_1089 = arith.select %lt3A_1085, %add3A_1088, %rem3A_1082 : vector<16xi1>, vector<16xf32>
      %div3A_1090 = arith.constant 6.280000e+00 : f32
      %div3A_1091 = vector.broadcast %div3A_1090 : f32 to vector<16xf32>
      %div3A_1092 = arith.divf %select_n3A_1089, %div3A_1091 : vector<16xf32>
      %sub3A_1093 = arith.subf %div3A_1092, %gather3A_1075 : vector<16xf32>
      %rem3A_1094 = arith.constant 6.280000e+00 : f32
      %rem3A_1095 = vector.broadcast %rem3A_1094 : f32 to vector<16xf32>
      %rem3A_1096 = arith.remf %masked_sort3A_925, %rem3A_1095 : vector<16xf32>
      %lt3A_1097 = arith.constant 0.000000e+00 : f32
      %lt3A_1098 = vector.broadcast %lt3A_1097 : f32 to vector<16xf32>
      %lt3A_1099 = arith.cmpf olt, %rem3A_1096, %lt3A_1098 : vector<16xf32>
      %add3A_1100 = arith.constant 6.280000e+00 : f32
      %add3A_1101 = vector.broadcast %add3A_1100 : f32 to vector<16xf32>
      %add3A_1102 = arith.addf %rem3A_1096, %add3A_1101 : vector<16xf32>
      %select_n3A_1103 = arith.select %lt3A_1099, %add3A_1102, %rem3A_1096 : vector<16xi1>, vector<16xf32>
      %div3A_1104 = arith.constant 6.280000e+00 : f32
      %div3A_1105 = vector.broadcast %div3A_1104 : f32 to vector<16xf32>
      %div3A_1106 = arith.divf %select_n3A_1103, %div3A_1105 : vector<16xf32>
      %sub3A_1107 = arith.subf %div3A_1106, %gather3A_1079 : vector<16xf32>
      %mul3A_1108 = arith.mulf %sub3A_1093, %sub3A_1093 : vector<16xf32>
      %mul3A_1109 = arith.mulf %sub3A_1107, %sub3A_1107 : vector<16xf32>
      %add3A_1110 = arith.addf %mul3A_1108, %mul3A_1109 : vector<16xf32>
      %jit3A_1111 = arith.constant 0.000000e+00 : f32
      %broadcast_in_dim3A_1112 = vector.broadcast %jit3A_1111 : f32 to vector<16xf32>
      %select_n3A_1113 = arith.select %lt3A_1065, %add3A_1110, %broadcast_in_dim3A_1112 : vector<16xi1>, vector<16xf32>
      %add3A_1114 = arith.addf %add3A_1059, %select_n3A_1113 : vector<16xf32>
      %add3A_1115 = arith.constant 0 : i32
      %add3A_1116 = vector.broadcast %add3A_1115 : i32 to vector<16xi32>
      %add3A_1117 = arith.addi %iota3A, %add3A_1116 : vector<16xi32>
      %lt3A_1118 = arith.constant 36 : i32
      %lt3A_1119 = vector.broadcast %lt3A_1118 : i32 to vector<16xi32>
      %lt3A_1120 = arith.cmpi slt, %add3A_1117, %lt3A_1119 : vector<16xi32>
      %mul3A_1121 = arith.constant 2 : i32
      %mul3A_1122 = vector.broadcast %mul3A_1121 : i32 to vector<16xi32>
      %mul3A_1123 = arith.muli %add3A_1117, %mul3A_1122 : vector<16xi32>
      %gather3A_1124 = tpu.vector_load_idx %arg8[%mul3A_1123] : memref<128xf32, #tpu.memory_space<vmem>>[vector<16xi32>], vector<16xf32>,
      %mul3A_1125 = arith.constant 2 : i32
      %mul3A_1126 = vector.broadcast %mul3A_1125 : i32 to vector<16xi32>
      %mul3A_1127 = arith.muli %add3A_1117, %mul3A_1126 : vector<16xi32>
      %add3A_1128 = arith.constant 1 : i32
      %add3A_1129 = vector.broadcast %add3A_1128 : i32 to vector<16xi32>
      %add3A_1130 = arith.addi %mul3A_1127, %add3A_1129 : vector<16xi32>
      %gather3A_1131 = tpu.vector_load_idx %arg8[%add3A_1130] : memref<128xf32, #tpu.memory_space<vmem>>[vector<16xi32>], vector<16xf32>,
      %sub3A_1132 = arith.constant 4.71238899 : f32
      %sub3A_1133 = vector.broadcast %sub3A_1132 : f32 to vector<16xf32>
      %sub3A_1134 = arith.subf %gather3A_1131, %sub3A_1133 : vector<16xf32>
      %rem3A_1135 = arith.constant 6.28318548 : f32
      %rem3A_1136 = vector.broadcast %rem3A_1135 : f32 to vector<16xf32>
      %rem3A_1137 = arith.remf %sub3A_1134, %rem3A_1136 : vector<16xf32>
      %lt3A_1138 = arith.constant 0.000000e+00 : f32
      %lt3A_1139 = vector.broadcast %lt3A_1138 : f32 to vector<16xf32>
      %lt3A_1140 = arith.cmpf olt, %rem3A_1137, %lt3A_1139 : vector<16xf32>
      %add3A_1141 = arith.constant 6.28318548 : f32
      %add3A_1142 = vector.broadcast %add3A_1141 : f32 to vector<16xf32>
      %add3A_1143 = arith.addf %rem3A_1137, %add3A_1142 : vector<16xf32>
      %select_n3A_1144 = arith.select %lt3A_1140, %add3A_1143, %rem3A_1137 : vector<16xi1>, vector<16xf32>
      %lt3A_1145 = arith.constant 0.52359879 : f32
      %lt3A_1146 = vector.broadcast %lt3A_1145 : f32 to vector<16xf32>
      %lt3A_1147 = arith.cmpf olt, %select_n3A_1144, %lt3A_1146 : vector<16xf32>
      %and3A_1148 = arith.andi %lt3A_1147, %lt3A_1120 : vector<16xi1>
      %jit3A_1149 = arith.constant 0.000000e+00 : f32
      %broadcast_in_dim3A_1150 = vector.broadcast %jit3A_1149 : f32 to vector<16xf32>
      %select_n3A_1151 = arith.select %and3A_1148, %gather3A_1131, %broadcast_in_dim3A_1150 : vector<16xi1>, vector<16xf32>
      %jit3A_1152 = arith.constant 0.000000e+00 : f32
      %broadcast_in_dim3A_1153 = vector.broadcast %jit3A_1152 : f32 to vector<16xf32>
      %select_n3A_1154 = arith.select %and3A_1148, %gather3A_1124, %broadcast_in_dim3A_1153 : vector<16xi1>, vector<16xf32>
      %jit3A_1155 = arith.constant 0x7F800000 : f32
      %broadcast_in_dim3A_1156 = vector.broadcast %jit3A_1155 : f32 to vector<16xf32>
      %select_n3A_1157 = arith.select %lt3A_1120, %select_n3A_1151, %broadcast_in_dim3A_1156 : vector<16xi1>, vector<16xf32>
      %masked_sort3A_1158 = arith.constant dense<true> : vector<16xi1>
      %masked_sort3A_1159, %masked_sort3A_1160, %masked_sort3A_1161 = tpu.sort %select_n3A_1157, %select_n3A_1154 masked %masked_sort3A_1158 : (vector<16xf32>, vector<16xf32>, vector<16xi1>) -> (vector<16xi1>, vector<16xf32>, vector<16xf32>)
      %add3A_1162 = arith.constant 16 : i32
      %add3A_1163 = vector.broadcast %add3A_1162 : i32 to vector<16xi32>
      %add3A_1164 = arith.addi %iota3A, %add3A_1163 : vector<16xi32>
      %lt3A_1165 = arith.constant 36 : i32
      %lt3A_1166 = vector.broadcast %lt3A_1165 : i32 to vector<16xi32>
      %lt3A_1167 = arith.cmpi slt, %add3A_1164, %lt3A_1166 : vector<16xi32>
      %mul3A_1168 = arith.constant 2 : i32
      %mul3A_1169 = vector.broadcast %mul3A_1168 : i32 to vector<16xi32>
      %mul3A_1170 = arith.muli %add3A_1164, %mul3A_1169 : vector<16xi32>
      %gather3A_1171 = tpu.vector_load_idx %arg8[%mul3A_1170] : memref<128xf32, #tpu.memory_space<vmem>>[vector<16xi32>], vector<16xf32>,
      %mul3A_1172 = arith.constant 2 : i32
      %mul3A_1173 = vector.broadcast %mul3A_1172 : i32 to vector<16xi32>
      %mul3A_1174 = arith.muli %add3A_1164, %mul3A_1173 : vector<16xi32>
      %add3A_1175 = arith.constant 1 : i32
      %add3A_1176 = vector.broadcast %add3A_1175 : i32 to vector<16xi32>
      %add3A_1177 = arith.addi %mul3A_1174, %add3A_1176 : vector<16xi32>
      %gather3A_1178 = tpu.vector_load_idx %arg8[%add3A_1177] : memref<128xf32, #tpu.memory_space<vmem>>[vector<16xi32>], vector<16xf32>,
      %sub3A_1179 = arith.constant 4.71238899 : f32
      %sub3A_1180 = vector.broadcast %sub3A_1179 : f32 to vector<16xf32>
      %sub3A_1181 = arith.subf %gather3A_1178, %sub3A_1180 : vector<16xf32>
      %rem3A_1182 = arith.constant 6.28318548 : f32
      %rem3A_1183 = vector.broadcast %rem3A_1182 : f32 to vector<16xf32>
      %rem3A_1184 = arith.remf %sub3A_1181, %rem3A_1183 : vector<16xf32>
      %lt3A_1185 = arith.constant 0.000000e+00 : f32
      %lt3A_1186 = vector.broadcast %lt3A_1185 : f32 to vector<16xf32>
      %lt3A_1187 = arith.cmpf olt, %rem3A_1184, %lt3A_1186 : vector<16xf32>
      %add3A_1188 = arith.constant 6.28318548 : f32
      %add3A_1189 = vector.broadcast %add3A_1188 : f32 to vector<16xf32>
      %add3A_1190 = arith.addf %rem3A_1184, %add3A_1189 : vector<16xf32>
      %select_n3A_1191 = arith.select %lt3A_1187, %add3A_1190, %rem3A_1184 : vector<16xi1>, vector<16xf32>
      %lt3A_1192 = arith.constant 0.52359879 : f32
      %lt3A_1193 = vector.broadcast %lt3A_1192 : f32 to vector<16xf32>
      %lt3A_1194 = arith.cmpf olt, %select_n3A_1191, %lt3A_1193 : vector<16xf32>
      %and3A_1195 = arith.andi %lt3A_1194, %lt3A_1167 : vector<16xi1>
      %jit3A_1196 = arith.constant 0.000000e+00 : f32
      %broadcast_in_dim3A_1197 = vector.broadcast %jit3A_1196 : f32 to vector<16xf32>
      %select_n3A_1198 = arith.select %and3A_1195, %gather3A_1178, %broadcast_in_dim3A_1197 : vector<16xi1>, vector<16xf32>
      %jit3A_1199 = arith.constant 0.000000e+00 : f32
      %broadcast_in_dim3A_1200 = vector.broadcast %jit3A_1199 : f32 to vector<16xf32>
      %select_n3A_1201 = arith.select %and3A_1195, %gather3A_1171, %broadcast_in_dim3A_1200 : vector<16xi1>, vector<16xf32>
      %jit3A_1202 = arith.constant 0x7F800000 : f32
      %broadcast_in_dim3A_1203 = vector.broadcast %jit3A_1202 : f32 to vector<16xf32>
      %select_n3A_1204 = arith.select %lt3A_1167, %select_n3A_1198, %broadcast_in_dim3A_1203 : vector<16xi1>, vector<16xf32>
      %masked_sort3A_1205 = arith.constant dense<true> : vector<16xi1>
      %masked_sort3A_1206, %masked_sort3A_1207, %masked_sort3A_1208 = tpu.sort %select_n3A_1204, %select_n3A_1201 masked %masked_sort3A_1205 : (vector<16xf32>, vector<16xf32>, vector<16xi1>) -> (vector<16xi1>, vector<16xf32>, vector<16xf32>)
      %add3A_1209 = arith.constant 32 : i32
      %add3A_1210 = vector.broadcast %add3A_1209 : i32 to vector<16xi32>
      %add3A_1211 = arith.addi %iota3A, %add3A_1210 : vector<16xi32>
      %lt3A_1212 = arith.constant 36 : i32
      %lt3A_1213 = vector.broadcast %lt3A_1212 : i32 to vector<16xi32>
      %lt3A_1214 = arith.cmpi slt, %add3A_1211, %lt3A_1213 : vector<16xi32>
      %mul3A_1215 = arith.constant 2 : i32
      %mul3A_1216 = vector.broadcast %mul3A_1215 : i32 to vector<16xi32>
      %mul3A_1217 = arith.muli %add3A_1211, %mul3A_1216 : vector<16xi32>
      %gather3A_1218 = tpu.vector_load_idx %arg8[%mul3A_1217] : memref<128xf32, #tpu.memory_space<vmem>>[vector<16xi32>], vector<16xf32>,
      %mul3A_1219 = arith.constant 2 : i32
      %mul3A_1220 = vector.broadcast %mul3A_1219 : i32 to vector<16xi32>
      %mul3A_1221 = arith.muli %add3A_1211, %mul3A_1220 : vector<16xi32>
      %add3A_1222 = arith.constant 1 : i32
      %add3A_1223 = vector.broadcast %add3A_1222 : i32 to vector<16xi32>
      %add3A_1224 = arith.addi %mul3A_1221, %add3A_1223 : vector<16xi32>
      %gather3A_1225 = tpu.vector_load_idx %arg8[%add3A_1224] : memref<128xf32, #tpu.memory_space<vmem>>[vector<16xi32>], vector<16xf32>,
      %sub3A_1226 = arith.constant 4.71238899 : f32
      %sub3A_1227 = vector.broadcast %sub3A_1226 : f32 to vector<16xf32>
      %sub3A_1228 = arith.subf %gather3A_1225, %sub3A_1227 : vector<16xf32>
      %rem3A_1229 = arith.constant 6.28318548 : f32
      %rem3A_1230 = vector.broadcast %rem3A_1229 : f32 to vector<16xf32>
      %rem3A_1231 = arith.remf %sub3A_1228, %rem3A_1230 : vector<16xf32>
      %lt3A_1232 = arith.constant 0.000000e+00 : f32
      %lt3A_1233 = vector.broadcast %lt3A_1232 : f32 to vector<16xf32>
      %lt3A_1234 = arith.cmpf olt, %rem3A_1231, %lt3A_1233 : vector<16xf32>
      %add3A_1235 = arith.constant 6.28318548 : f32
      %add3A_1236 = vector.broadcast %add3A_1235 : f32 to vector<16xf32>
      %add3A_1237 = arith.addf %rem3A_1231, %add3A_1236 : vector<16xf32>
      %select_n3A_1238 = arith.select %lt3A_1234, %add3A_1237, %rem3A_1231 : vector<16xi1>, vector<16xf32>
      %lt3A_1239 = arith.constant 0.52359879 : f32
      %lt3A_1240 = vector.broadcast %lt3A_1239 : f32 to vector<16xf32>
      %lt3A_1241 = arith.cmpf olt, %select_n3A_1238, %lt3A_1240 : vector<16xf32>
      %and3A_1242 = arith.andi %lt3A_1241, %lt3A_1214 : vector<16xi1>
      %jit3A_1243 = arith.constant 0.000000e+00 : f32
      %broadcast_in_dim3A_1244 = vector.broadcast %jit3A_1243 : f32 to vector<16xf32>
      %select_n3A_1245 = arith.select %and3A_1242, %gather3A_1225, %broadcast_in_dim3A_1244 : vector<16xi1>, vector<16xf32>
      %jit3A_1246 = arith.constant 0.000000e+00 : f32
      %broadcast_in_dim3A_1247 = vector.broadcast %jit3A_1246 : f32 to vector<16xf32>
      %select_n3A_1248 = arith.select %and3A_1242, %gather3A_1218, %broadcast_in_dim3A_1247 : vector<16xi1>, vector<16xf32>
      %jit3A_1249 = arith.constant 0x7F800000 : f32
      %broadcast_in_dim3A_1250 = vector.broadcast %jit3A_1249 : f32 to vector<16xf32>
      %select_n3A_1251 = arith.select %lt3A_1214, %select_n3A_1245, %broadcast_in_dim3A_1250 : vector<16xi1>, vector<16xf32>
      %masked_sort3A_1252 = arith.constant dense<true> : vector<16xi1>
      %masked_sort3A_1253, %masked_sort3A_1254, %masked_sort3A_1255 = tpu.sort %select_n3A_1251, %select_n3A_1248 masked %masked_sort3A_1252 : (vector<16xf32>, vector<16xf32>, vector<16xi1>) -> (vector<16xi1>, vector<16xf32>, vector<16xf32>)
      %rev3A_1256 = arith.constant 15 : i32
      %rev3A_1257 = vector.broadcast %rev3A_1256 : i32 to vector<16xi32>
      %rev3A_1258 = tpu.iota {dimensions = array<i32: 0>} : vector<16xi32>
      %rev3A_1259 = arith.subi %rev3A_1257, %rev3A_1258 : vector<16xi32>
      %rev3A_1260 = tpu.dynamic_gather %masked_sort3A_1207[%rev3A_1259] in [0] : vector<16xf32>, vector<16xi32> -> vector<16xf32>
      %rev3A_1261 = arith.constant 15 : i32
      %rev3A_1262 = vector.broadcast %rev3A_1261 : i32 to vector<16xi32>
      %rev3A_1263 = tpu.iota {dimensions = array<i32: 0>} : vector<16xi32>
      %rev3A_1264 = arith.subi %rev3A_1262, %rev3A_1263 : vector<16xi32>
      %rev3A_1265 = tpu.dynamic_gather %masked_sort3A_1208[%rev3A_1264] in [0] : vector<16xf32>, vector<16xi32> -> vector<16xf32>
      %le3A_1266 = arith.cmpf ole, %masked_sort3A_1160, %rev3A_1260 : vector<16xf32>
      %select_n3A_1267 = arith.select %le3A_1266, %masked_sort3A_1160, %rev3A_1260 : vector<16xi1>, vector<16xf32>
      %select_n3A_1268 = arith.select %le3A_1266, %masked_sort3A_1161, %rev3A_1265 : vector<16xi1>, vector<16xf32>
      %masked_sort3A_1269 = arith.constant dense<true> : vector<16xi1>
      %masked_sort3A_1270, %masked_sort3A_1271, %masked_sort3A_1272 = tpu.sort %select_n3A_1267, %select_n3A_1268 masked %masked_sort3A_1269 : (vector<16xf32>, vector<16xf32>, vector<16xi1>) -> (vector<16xi1>, vector<16xf32>, vector<16xf32>)
      %select_n3A_1273 = arith.select %le3A_1266, %rev3A_1260, %masked_sort3A_1160 : vector<16xi1>, vector<16xf32>
      %select_n3A_1274 = arith.select %le3A_1266, %rev3A_1265, %masked_sort3A_1161 : vector<16xi1>, vector<16xf32>
      %masked_sort3A_1275 = arith.constant dense<true> : vector<16xi1>
      %masked_sort3A_1276, %masked_sort3A_1277, %masked_sort3A_1278 = tpu.sort %select_n3A_1273, %select_n3A_1274 masked %masked_sort3A_1275 : (vector<16xf32>, vector<16xf32>, vector<16xi1>) -> (vector<16xi1>, vector<16xf32>, vector<16xf32>)
      %rev3A_1279 = arith.constant 15 : i32
      %rev3A_1280 = vector.broadcast %rev3A_1279 : i32 to vector<16xi32>
      %rev3A_1281 = tpu.iota {dimensions = array<i32: 0>} : vector<16xi32>
      %rev3A_1282 = arith.subi %rev3A_1280, %rev3A_1281 : vector<16xi32>
      %rev3A_1283 = tpu.dynamic_gather %masked_sort3A_1254[%rev3A_1282] in [0] : vector<16xf32>, vector<16xi32> -> vector<16xf32>
      %rev3A_1284 = arith.constant 15 : i32
      %rev3A_1285 = vector.broadcast %rev3A_1284 : i32 to vector<16xi32>
      %rev3A_1286 = tpu.iota {dimensions = array<i32: 0>} : vector<16xi32>
      %rev3A_1287 = arith.subi %rev3A_1285, %rev3A_1286 : vector<16xi32>
      %rev3A_1288 = tpu.dynamic_gather %masked_sort3A_1255[%rev3A_1287] in [0] : vector<16xf32>, vector<16xi32> -> vector<16xf32>
      %le3A_1289 = arith.cmpf ole, %masked_sort3A_1277, %rev3A_1283 : vector<16xf32>
      %select_n3A_1290 = arith.select %le3A_1289, %masked_sort3A_1277, %rev3A_1283 : vector<16xi1>, vector<16xf32>
      %select_n3A_1291 = arith.select %le3A_1289, %masked_sort3A_1278, %rev3A_1288 : vector<16xi1>, vector<16xf32>
      %masked_sort3A_1292 = arith.constant dense<true> : vector<16xi1>
      %masked_sort3A_1293, %masked_sort3A_1294, %masked_sort3A_1295 = tpu.sort %select_n3A_1290, %select_n3A_1291 masked %masked_sort3A_1292 : (vector<16xf32>, vector<16xf32>, vector<16xi1>) -> (vector<16xi1>, vector<16xf32>, vector<16xf32>)
      %select_n3A_1296 = arith.select %le3A_1289, %rev3A_1283, %masked_sort3A_1277 : vector<16xi1>, vector<16xf32>
      %select_n3A_1297 = arith.select %le3A_1289, %rev3A_1288, %masked_sort3A_1278 : vector<16xi1>, vector<16xf32>
      %masked_sort3A_1298 = arith.constant dense<true> : vector<16xi1>
      %masked_sort3A_1299, %masked_sort3A_1300, %masked_sort3A_1301 = tpu.sort %select_n3A_1296, %select_n3A_1297 masked %masked_sort3A_1298 : (vector<16xf32>, vector<16xf32>, vector<16xi1>) -> (vector<16xi1>, vector<16xf32>, vector<16xf32>)
      %rev3A_1302 = arith.constant 15 : i32
      %rev3A_1303 = vector.broadcast %rev3A_1302 : i32 to vector<16xi32>
      %rev3A_1304 = tpu.iota {dimensions = array<i32: 0>} : vector<16xi32>
      %rev3A_1305 = arith.subi %rev3A_1303, %rev3A_1304 : vector<16xi32>
      %rev3A_1306 = tpu.dynamic_gather %masked_sort3A_1294[%rev3A_1305] in [0] : vector<16xf32>, vector<16xi32> -> vector<16xf32>
      %rev3A_1307 = arith.constant 15 : i32
      %rev3A_1308 = vector.broadcast %rev3A_1307 : i32 to vector<16xi32>
      %rev3A_1309 = tpu.iota {dimensions = array<i32: 0>} : vector<16xi32>
      %rev3A_1310 = arith.subi %rev3A_1308, %rev3A_1309 : vector<16xi32>
      %rev3A_1311 = tpu.dynamic_gather %masked_sort3A_1295[%rev3A_1310] in [0] : vector<16xf32>, vector<16xi32> -> vector<16xf32>
      %le3A_1312 = arith.cmpf ole, %masked_sort3A_1271, %rev3A_1306 : vector<16xf32>
      %select_n3A_1313 = arith.select %le3A_1312, %masked_sort3A_1271, %rev3A_1306 : vector<16xi1>, vector<16xf32>
      %select_n3A_1314 = arith.select %le3A_1312, %masked_sort3A_1272, %rev3A_1311 : vector<16xi1>, vector<16xf32>
      %masked_sort3A_1315 = arith.constant dense<true> : vector<16xi1>
      %masked_sort3A_1316, %masked_sort3A_1317, %masked_sort3A_1318 = tpu.sort %select_n3A_1313, %select_n3A_1314 masked %masked_sort3A_1315 : (vector<16xf32>, vector<16xf32>, vector<16xi1>) -> (vector<16xi1>, vector<16xf32>, vector<16xf32>)
      %select_n3A_1319 = arith.select %le3A_1312, %rev3A_1306, %masked_sort3A_1271 : vector<16xi1>, vector<16xf32>
      %select_n3A_1320 = arith.select %le3A_1312, %rev3A_1311, %masked_sort3A_1272 : vector<16xi1>, vector<16xf32>
      %masked_sort3A_1321 = arith.constant dense<true> : vector<16xi1>
      %masked_sort3A_1322, %masked_sort3A_1323, %masked_sort3A_1324 = tpu.sort %select_n3A_1319, %select_n3A_1320 masked %masked_sort3A_1321 : (vector<16xf32>, vector<16xf32>, vector<16xi1>) -> (vector<16xi1>, vector<16xf32>, vector<16xf32>)
      %add3A_1325 = arith.constant 0 : i32
      %add3A_1326 = vector.broadcast %add3A_1325 : i32 to vector<16xi32>
      %add3A_1327 = arith.addi %iota3A, %add3A_1326 : vector<16xi32>
      %lt3A_1328 = arith.constant 36 : i32
      %lt3A_1329 = vector.broadcast %lt3A_1328 : i32 to vector<16xi32>
      %lt3A_1330 = arith.cmpi slt, %add3A_1327, %lt3A_1329 : vector<16xi32>
      %mul3A_1331 = arith.constant 2 : i32
      %mul3A_1332 = vector.broadcast %mul3A_1331 : i32 to vector<16xi32>
      %mul3A_1333 = arith.muli %add3A_1327, %mul3A_1332 : vector<16xi32>
      %jit3A_1334 = arith.constant 0 : i32
      %broadcast_in_dim3A_1335 = vector.broadcast %jit3A_1334 : i32 to vector<16xi32>
      %select_n3A_1336 = arith.select %lt3A_1330, %mul3A_1333, %broadcast_in_dim3A_1335 : vector<16xi1>, vector<16xi32>
      %add3A_1337 = arith.constant 216 : i32
      %add3A_1338 = vector.broadcast %add3A_1337 : i32 to vector<16xi32>
      %add3A_1339 = arith.addi %select_n3A_1336, %add3A_1338 : vector<16xi32>
      %gather3A_1340 = tpu.vector_load_idx %arg9[%add3A_1339] : memref<288xf32, #tpu.memory_space<vmem>>[vector<16xi32>], vector<16xf32>,
      %add3A_1341 = arith.constant 1 : i32
      %add3A_1342 = vector.broadcast %add3A_1341 : i32 to vector<16xi32>
      %add3A_1343 = arith.addi %add3A_1339, %add3A_1342 : vector<16xi32>
      %gather3A_1344 = tpu.vector_load_idx %arg9[%add3A_1343] : memref<288xf32, #tpu.memory_space<vmem>>[vector<16xi32>], vector<16xf32>,
      %rem3A_1345 = arith.constant 6.280000e+00 : f32
      %rem3A_1346 = vector.broadcast %rem3A_1345 : f32 to vector<16xf32>
      %rem3A_1347 = arith.remf %masked_sort3A_1318, %rem3A_1346 : vector<16xf32>
      %lt3A_1348 = arith.constant 0.000000e+00 : f32
      %lt3A_1349 = vector.broadcast %lt3A_1348 : f32 to vector<16xf32>
      %lt3A_1350 = arith.cmpf olt, %rem3A_1347, %lt3A_1349 : vector<16xf32>
      %add3A_1351 = arith.constant 6.280000e+00 : f32
      %add3A_1352 = vector.broadcast %add3A_1351 : f32 to vector<16xf32>
      %add3A_1353 = arith.addf %rem3A_1347, %add3A_1352 : vector<16xf32>
      %select_n3A_1354 = arith.select %lt3A_1350, %add3A_1353, %rem3A_1347 : vector<16xi1>, vector<16xf32>
      %div3A_1355 = arith.constant 6.280000e+00 : f32
      %div3A_1356 = vector.broadcast %div3A_1355 : f32 to vector<16xf32>
      %div3A_1357 = arith.divf %select_n3A_1354, %div3A_1356 : vector<16xf32>
      %sub3A_1358 = arith.subf %div3A_1357, %gather3A_1340 : vector<16xf32>
      %rem3A_1359 = arith.constant 6.280000e+00 : f32
      %rem3A_1360 = vector.broadcast %rem3A_1359 : f32 to vector<16xf32>
      %rem3A_1361 = arith.remf %masked_sort3A_1317, %rem3A_1360 : vector<16xf32>
      %lt3A_1362 = arith.constant 0.000000e+00 : f32
      %lt3A_1363 = vector.broadcast %lt3A_1362 : f32 to vector<16xf32>
      %lt3A_1364 = arith.cmpf olt, %rem3A_1361, %lt3A_1363 : vector<16xf32>
      %add3A_1365 = arith.constant 6.280000e+00 : f32
      %add3A_1366 = vector.broadcast %add3A_1365 : f32 to vector<16xf32>
      %add3A_1367 = arith.addf %rem3A_1361, %add3A_1366 : vector<16xf32>
      %select_n3A_1368 = arith.select %lt3A_1364, %add3A_1367, %rem3A_1361 : vector<16xi1>, vector<16xf32>
      %div3A_1369 = arith.constant 6.280000e+00 : f32
      %div3A_1370 = vector.broadcast %div3A_1369 : f32 to vector<16xf32>
      %div3A_1371 = arith.divf %select_n3A_1368, %div3A_1370 : vector<16xf32>
      %sub3A_1372 = arith.subf %div3A_1371, %gather3A_1344 : vector<16xf32>
      %mul3A_1373 = arith.mulf %sub3A_1358, %sub3A_1358 : vector<16xf32>
      %mul3A_1374 = arith.mulf %sub3A_1372, %sub3A_1372 : vector<16xf32>
      %add3A_1375 = arith.addf %mul3A_1373, %mul3A_1374 : vector<16xf32>
      %jit3A_1376 = arith.constant 0.000000e+00 : f32
      %broadcast_in_dim3A_1377 = vector.broadcast %jit3A_1376 : f32 to vector<16xf32>
      %select_n3A_1378 = arith.select %lt3A_1330, %add3A_1375, %broadcast_in_dim3A_1377 : vector<16xi1>, vector<16xf32>
      %add3A_1379 = arith.addf %add3A_1114, %select_n3A_1378 : vector<16xf32>
      %add3A_1380 = arith.constant 16 : i32
      %add3A_1381 = vector.broadcast %add3A_1380 : i32 to vector<16xi32>
      %add3A_1382 = arith.addi %iota3A, %add3A_1381 : vector<16xi32>
      %lt3A_1383 = arith.constant 36 : i32
      %lt3A_1384 = vector.broadcast %lt3A_1383 : i32 to vector<16xi32>
      %lt3A_1385 = arith.cmpi slt, %add3A_1382, %lt3A_1384 : vector<16xi32>
      %mul3A_1386 = arith.constant 2 : i32
      %mul3A_1387 = vector.broadcast %mul3A_1386 : i32 to vector<16xi32>
      %mul3A_1388 = arith.muli %add3A_1382, %mul3A_1387 : vector<16xi32>
      %jit3A_1389 = arith.constant 0 : i32
      %broadcast_in_dim3A_1390 = vector.broadcast %jit3A_1389 : i32 to vector<16xi32>
      %select_n3A_1391 = arith.select %lt3A_1385, %mul3A_1388, %broadcast_in_dim3A_1390 : vector<16xi1>, vector<16xi32>
      %add3A_1392 = arith.constant 216 : i32
      %add3A_1393 = vector.broadcast %add3A_1392 : i32 to vector<16xi32>
      %add3A_1394 = arith.addi %select_n3A_1391, %add3A_1393 : vector<16xi32>
      %gather3A_1395 = tpu.vector_load_idx %arg9[%add3A_1394] : memref<288xf32, #tpu.memory_space<vmem>>[vector<16xi32>], vector<16xf32>,
      %add3A_1396 = arith.constant 1 : i32
      %add3A_1397 = vector.broadcast %add3A_1396 : i32 to vector<16xi32>
      %add3A_1398 = arith.addi %add3A_1394, %add3A_1397 : vector<16xi32>
      %gather3A_1399 = tpu.vector_load_idx %arg9[%add3A_1398] : memref<288xf32, #tpu.memory_space<vmem>>[vector<16xi32>], vector<16xf32>,
      %rem3A_1400 = arith.constant 6.280000e+00 : f32
      %rem3A_1401 = vector.broadcast %rem3A_1400 : f32 to vector<16xf32>
      %rem3A_1402 = arith.remf %masked_sort3A_1324, %rem3A_1401 : vector<16xf32>
      %lt3A_1403 = arith.constant 0.000000e+00 : f32
      %lt3A_1404 = vector.broadcast %lt3A_1403 : f32 to vector<16xf32>
      %lt3A_1405 = arith.cmpf olt, %rem3A_1402, %lt3A_1404 : vector<16xf32>
      %add3A_1406 = arith.constant 6.280000e+00 : f32
      %add3A_1407 = vector.broadcast %add3A_1406 : f32 to vector<16xf32>
      %add3A_1408 = arith.addf %rem3A_1402, %add3A_1407 : vector<16xf32>
      %select_n3A_1409 = arith.select %lt3A_1405, %add3A_1408, %rem3A_1402 : vector<16xi1>, vector<16xf32>
      %div3A_1410 = arith.constant 6.280000e+00 : f32
      %div3A_1411 = vector.broadcast %div3A_1410 : f32 to vector<16xf32>
      %div3A_1412 = arith.divf %select_n3A_1409, %div3A_1411 : vector<16xf32>
      %sub3A_1413 = arith.subf %div3A_1412, %gather3A_1395 : vector<16xf32>
      %rem3A_1414 = arith.constant 6.280000e+00 : f32
      %rem3A_1415 = vector.broadcast %rem3A_1414 : f32 to vector<16xf32>
      %rem3A_1416 = arith.remf %masked_sort3A_1323, %rem3A_1415 : vector<16xf32>
      %lt3A_1417 = arith.constant 0.000000e+00 : f32
      %lt3A_1418 = vector.broadcast %lt3A_1417 : f32 to vector<16xf32>
      %lt3A_1419 = arith.cmpf olt, %rem3A_1416, %lt3A_1418 : vector<16xf32>
      %add3A_1420 = arith.constant 6.280000e+00 : f32
      %add3A_1421 = vector.broadcast %add3A_1420 : f32 to vector<16xf32>
      %add3A_1422 = arith.addf %rem3A_1416, %add3A_1421 : vector<16xf32>
      %select_n3A_1423 = arith.select %lt3A_1419, %add3A_1422, %rem3A_1416 : vector<16xi1>, vector<16xf32>
      %div3A_1424 = arith.constant 6.280000e+00 : f32
      %div3A_1425 = vector.broadcast %div3A_1424 : f32 to vector<16xf32>
      %div3A_1426 = arith.divf %select_n3A_1423, %div3A_1425 : vector<16xf32>
      %sub3A_1427 = arith.subf %div3A_1426, %gather3A_1399 : vector<16xf32>
      %mul3A_1428 = arith.mulf %sub3A_1413, %sub3A_1413 : vector<16xf32>
      %mul3A_1429 = arith.mulf %sub3A_1427, %sub3A_1427 : vector<16xf32>
      %add3A_1430 = arith.addf %mul3A_1428, %mul3A_1429 : vector<16xf32>
      %jit3A_1431 = arith.constant 0.000000e+00 : f32
      %broadcast_in_dim3A_1432 = vector.broadcast %jit3A_1431 : f32 to vector<16xf32>
      %select_n3A_1433 = arith.select %lt3A_1385, %add3A_1430, %broadcast_in_dim3A_1432 : vector<16xi1>, vector<16xf32>
      %add3A_1434 = arith.addf %add3A_1379, %select_n3A_1433 : vector<16xf32>
      %add3A_1435 = arith.constant 32 : i32
      %add3A_1436 = vector.broadcast %add3A_1435 : i32 to vector<16xi32>
      %add3A_1437 = arith.addi %iota3A, %add3A_1436 : vector<16xi32>
      %lt3A_1438 = arith.constant 36 : i32
      %lt3A_1439 = vector.broadcast %lt3A_1438 : i32 to vector<16xi32>
      %lt3A_1440 = arith.cmpi slt, %add3A_1437, %lt3A_1439 : vector<16xi32>
      %mul3A_1441 = arith.constant 2 : i32
      %mul3A_1442 = vector.broadcast %mul3A_1441 : i32 to vector<16xi32>
      %mul3A_1443 = arith.muli %add3A_1437, %mul3A_1442 : vector<16xi32>
      %jit3A_1444 = arith.constant 0 : i32
      %broadcast_in_dim3A_1445 = vector.broadcast %jit3A_1444 : i32 to vector<16xi32>
      %select_n3A_1446 = arith.select %lt3A_1440, %mul3A_1443, %broadcast_in_dim3A_1445 : vector<16xi1>, vector<16xi32>
      %add3A_1447 = arith.constant 216 : i32
      %add3A_1448 = vector.broadcast %add3A_1447 : i32 to vector<16xi32>
      %add3A_1449 = arith.addi %select_n3A_1446, %add3A_1448 : vector<16xi32>
      %gather3A_1450 = tpu.vector_load_idx %arg9[%add3A_1449] : memref<288xf32, #tpu.memory_space<vmem>>[vector<16xi32>], vector<16xf32>,
      %add3A_1451 = arith.constant 1 : i32
      %add3A_1452 = vector.broadcast %add3A_1451 : i32 to vector<16xi32>
      %add3A_1453 = arith.addi %add3A_1449, %add3A_1452 : vector<16xi32>
      %gather3A_1454 = tpu.vector_load_idx %arg9[%add3A_1453] : memref<288xf32, #tpu.memory_space<vmem>>[vector<16xi32>], vector<16xf32>,
      %rem3A_1455 = arith.constant 6.280000e+00 : f32
      %rem3A_1456 = vector.broadcast %rem3A_1455 : f32 to vector<16xf32>
      %rem3A_1457 = arith.remf %masked_sort3A_1301, %rem3A_1456 : vector<16xf32>
      %lt3A_1458 = arith.constant 0.000000e+00 : f32
      %lt3A_1459 = vector.broadcast %lt3A_1458 : f32 to vector<16xf32>
      %lt3A_1460 = arith.cmpf olt, %rem3A_1457, %lt3A_1459 : vector<16xf32>
      %add3A_1461 = arith.constant 6.280000e+00 : f32
      %add3A_1462 = vector.broadcast %add3A_1461 : f32 to vector<16xf32>
      %add3A_1463 = arith.addf %rem3A_1457, %add3A_1462 : vector<16xf32>
      %select_n3A_1464 = arith.select %lt3A_1460, %add3A_1463, %rem3A_1457 : vector<16xi1>, vector<16xf32>
      %div3A_1465 = arith.constant 6.280000e+00 : f32
      %div3A_1466 = vector.broadcast %div3A_1465 : f32 to vector<16xf32>
      %div3A_1467 = arith.divf %select_n3A_1464, %div3A_1466 : vector<16xf32>
      %sub3A_1468 = arith.subf %div3A_1467, %gather3A_1450 : vector<16xf32>
      %rem3A_1469 = arith.constant 6.280000e+00 : f32
      %rem3A_1470 = vector.broadcast %rem3A_1469 : f32 to vector<16xf32>
      %rem3A_1471 = arith.remf %masked_sort3A_1300, %rem3A_1470 : vector<16xf32>
      %lt3A_1472 = arith.constant 0.000000e+00 : f32
      %lt3A_1473 = vector.broadcast %lt3A_1472 : f32 to vector<16xf32>
      %lt3A_1474 = arith.cmpf olt, %rem3A_1471, %lt3A_1473 : vector<16xf32>
      %add3A_1475 = arith.constant 6.280000e+00 : f32
      %add3A_1476 = vector.broadcast %add3A_1475 : f32 to vector<16xf32>
      %add3A_1477 = arith.addf %rem3A_1471, %add3A_1476 : vector<16xf32>
      %select_n3A_1478 = arith.select %lt3A_1474, %add3A_1477, %rem3A_1471 : vector<16xi1>, vector<16xf32>
      %div3A_1479 = arith.constant 6.280000e+00 : f32
      %div3A_1480 = vector.broadcast %div3A_1479 : f32 to vector<16xf32>
      %div3A_1481 = arith.divf %select_n3A_1478, %div3A_1480 : vector<16xf32>
      %sub3A_1482 = arith.subf %div3A_1481, %gather3A_1454 : vector<16xf32>
      %mul3A_1483 = arith.mulf %sub3A_1468, %sub3A_1468 : vector<16xf32>
      %mul3A_1484 = arith.mulf %sub3A_1482, %sub3A_1482 : vector<16xf32>
      %add3A_1485 = arith.addf %mul3A_1483, %mul3A_1484 : vector<16xf32>
      %jit3A_1486 = arith.constant 0.000000e+00 : f32
      %broadcast_in_dim3A_1487 = vector.broadcast %jit3A_1486 : f32 to vector<16xf32>
      %select_n3A_1488 = arith.select %lt3A_1440, %add3A_1485, %broadcast_in_dim3A_1487 : vector<16xi1>, vector<16xf32>
      %add3A_1489 = arith.addf %add3A_1434, %select_n3A_1488 : vector<16xf32>
      %reduce_sum3A = arith.constant true
      %reduce_sum3A_1490 = vector.broadcast %reduce_sum3A : i1 to vector<16xi1>
      %reduce_sum3A_1491 = tpu.scan <sum>, %add3A_1489 masked %reduce_sum3A_1490 : vector<16xf32>, vector<16xi1> -> vector<16xf32>
      %reduce_sum3A_1492 = vector.extract %reduce_sum3A_1491[15] : f32 from vector<16xf32>
      %broadcast_in_dim3A_1493 = vector.broadcast %reduce_sum3A_1492 : f32 to vector<16xf32>
      %div3A_1494 = arith.constant 2.880000e+02 : f32
      %div3A_1495 = vector.broadcast %div3A_1494 : f32 to vector<16xf32>
      %div3A_1496 = arith.divf %broadcast_in_dim3A_1493, %div3A_1495 : vector<16xf32>
      %swap3A = arith.constant 0 : index
      %swap3A_1497 = tpu.vector_load %arg10[%swap3A] {strides = array<i32>} : memref<16xf32, #tpu.memory_space<vmem>>, vector<16xf32>,
      tpu.vector_store %arg10[%swap3A], %div3A_1496 {strides = array<i32>} : memref<16xf32, #tpu.memory_space<vmem>>, vector<16xf32>,
      "tpu.region"() ({
        %run_scoped3A = tpu.sem_alloc : memref<!tpu.dma_semaphore, #tpu.memory_space<semaphore_mem>>
        tpu.enqueue_dma source(%arg10 : memref<16xf32, #tpu.memory_space<vmem>>) target(%arg7 : memref<16xf32, #tpu.memory_space<hbm>>) target_semaphore(%run_scoped3A : memref<!tpu.dma_semaphore, #tpu.memory_space<semaphore_mem>>)
        tpu.wait_dma2 semaphore(%run_scoped3A : memref<!tpu.dma_semaphore, #tpu.memory_space<semaphore_mem>>) src(%arg10 : memref<16xf32, #tpu.memory_space<vmem>>) dst(%arg7 : memref<16xf32, #tpu.memory_space<hbm>>)
        tpu.yield
      }) : () -> ()
    } else {
    }
    return
  }
}

</mosaic_0001>

<sc_bundles>
// kernel: kernel.3.cloned.1.call-start
scs
__scs_entry_jumppad:
0x0: {  	(pc) =	sbr.rel $0x88, $3  }
0x1: {  	(tag) =	ssettag $0x0;
	lr =	simm.s32 $0x1  }
0x2: {  	[smem:$0x3F9C] =	sst lr;
	_ =	strace $0xD0000000  }
0x3: {  	_ = 	snop  }
0x4: {  	_ = 	snop  }
0x5: {  	_ = 	snop  }
0x6: {  	_ = 	snop  }
0x7: {  	_ = 	snop  }
__scs_overlays_trampoline_lowered:
0x8: {  	[smem:$0x3FAB] =	sst s0  }
0x9: {  	[smem:$0x3FAC] =	sst s1  }
0xa: {  	[smem:$0x3FAD] =	sst s2  }
0xb: {  	[smem:$0x3FAE] =	sst s3  }
0xc: {  	[smem:$0x3FAF] =	sst s4  }
0xd: {  	[smem:$0x3FB0] =	sst s5  }
0xe: {  	[smem:$0x3FB1] =	sst s6  }
0xf: {  	[smem:$0x3FB2] =	sst s7  }
0x10: {  	[smem:$0x3FB3] =	sst s8  }
0x11: {  	[smem:$0x3FB4] =	sst s9;
	s0 =	simm.s32 @!p0 $0x0  }
0x12: {  	s1 =	sld [smem:$0x3F9A];
	s0 =	simm.s32 @p0 $0x1  }
0x13: {  	[smem:$0x3FB5] =	sst s0;
	s0 =	simm.s32 @!p1 $0x0  }
0x14: {  	s2 =	sld [smem:$0x3F99];
	s0 =	simm.s32 @p1 $0x1  }
0x15: {  	[smem:$0x3FB6] =	sst s0;
	s0 =	simm.s32 @!p2 $0x0  }
0x16: {  	s3 =	sld [smem:$0x3FDB];
	s0 =	simm.s32 @p2 $0x1  }
0x17: {  	s4 =	simm.s32 $0x1BF5;
	[smem:$0x3FB8] =	sst s0  }
0x18: {  	s0 =	sld [smem:$0x3F9B];
	_ =	swait.ge [sflag:s4], $0x0  }
0x19: {  	s7 =	sld [smem:$0x3F9C]  }
0x1a: {  	s8 =	sadd.s32 $0xFFFFE003, lr  }
0x1b: {  	s9 =	sadd.s32 $0xFFFFFEF7, lr;
	s5 =	simm.s32 $0xFFFFFFFF;
	p2 =	slt.u32 s8, $0xFFFFF086  }
0x1c: {  	p1 =	slt.u32 s9, $0xF7A;
	s5 =	simm.s32 @!p2 $0x0  }
0x1d: {  	s5 =	simm.s32 @p1 $0x1;
	p0 =	seq.s32 s7, s2  }
0x1e: {  	s7 =	smul.u32 @!p0 $0xF7A, s2;
	p2 =	seq.s32 @!p0 s5, $0x0  }
0x1f: {  	s9 =	smul.u32 $0xF7A, s1;
	s8 =	simm.s32 @!p0 $0x1BF5;
	p2 =	por !p2, p0  }
0x20: {  	[sflag:s8] =	ssyncset.s32 @!p0 $0xFFFFF086;
	s6 =	sadd.s32 @!p0 s3, s7;
	s7 =	simm.s32 @!p0 $0x108  }
0x21: {  	s3 =	sadd.s32 s3, s9;
	s6 =	sadd.s32 @!p0 $0x88, s6;
	s7 =	simm.s32 @p2 $0x1082  }
0x22: {  	[simem:s7], [sflag:s8] =	dma.local @!p0 [hbm:s6], $0xF7A  }
0x23: {  	s9 =	sor.u32 $0xD0000000, s2;
	s6 =	simm.s32 $0x108;
	_ =	swait.ge @!p0 [sflag:s8], $0x0  }
0x24: {  	s3 =	sadd.s32 $0x88, s3;
	s6 =	simm.s32 @!p1 $0x1082;
	[sflag:s4] =	ssyncset.s32 $0xFFFFF086  }
0x25: {  	[simem:s6], [sflag:s4] =	dma.local [hbm:s3], $0xF7A  }
0x26: {  	[smem:$0x3F9C] =	sst s1;
	(tag) =	ssettag s2;
	_ =	strace s9  }
0x27: {  	s1 =	sld [smem:$0x3FAC]  }
0x28: {  	s2 =	sld [smem:$0x3FAD]  }
0x29: {  	s4 =	sld [smem:$0x3FAF]  }
0x2a: {  	p0 =	seq.s32 s5, $0x0;
	s5 =	sld [smem:$0x3FB0]  }
0x2b: {  	s6 =	sld [smem:$0x3FB1]  }
0x2c: {  	s7 =	sld [smem:$0x3FB2]  }
0x2d: {  	s3 =	simm.s32 $0x108;
	s8 =	sld [smem:$0x3FB3]  }
0x2e: {  	s3 =	simm.s32 @!p0 $0x1082;
	s9 =	sld [smem:$0x3FB4]  }
0x2f: {  	lr =	sadd.s32 s0, s3;
	s0 =	sld [smem:$0x3FAB]  }
0x30: {  	s3 =	sld [smem:$0x3FAE]  }
0x31: {  	[smem:$0x3FB7] =	sst s10  }
0x32: {  	s10 =	sld [smem:$0x3FB5];
	_ =	sdelay $0x3  }
0x33: {  	p0 =	seq.s32 s10, $0x1;
	s10 =	sld [smem:$0x3FB7];
	_ =	sdelay $0x3  }
0x34: {  	[smem:$0x3FB7] =	sst s10  }
0x35: {  	s10 =	sld [smem:$0x3FB6];
	_ =	sdelay $0x3  }
0x36: {  	p1 =	seq.s32 s10, $0x1;
	s10 =	sld [smem:$0x3FB7];
	_ =	sdelay $0x3  }
0x37: {  	[smem:$0x3FB7] =	sst s10  }
0x38: {  	s10 =	sld [smem:$0x3FB8]  }
0x39: {  	_ = 	snop;
	(pc) =	sbr.ind lr, $3  }
0x3a: {  	_ = 	snop  }
0x3b: {  	_ = 	snop  }
0x3c: {  	p2 =	seq.s32 s10, $0x1;
	s10 =	sld [smem:$0x3FB7]  }
0x3d: {  	_ =	shalt  }
0x3e: {  	_ =	shalt  }
0x3f: {  	_ =	shalt  }
0x40: {  	_ =	shalt  }
0x41: {  	_ =	shalt  }
0x42: {  	_ =	shalt  }
0x43: {  	_ =	shalt  }
0x44: {  	_ =	shalt  }
0x45: {  	_ =	shalt  }
0x46: {  	_ =	shalt  }
0x47: {  	_ =	shalt  }
0x48: {  	_ =	shalt  }
0x49: {  	_ =	shalt  }
0x4a: {  	_ =	shalt  }
0x4b: {  	_ =	shalt  }
0x4c: {  	_ =	shalt  }
0x4d: {  	_ =	shalt  }
0x4e: {  	_ =	shalt  }
0x4f: {  	_ =	shalt  }
0x50: {  	_ =	shalt  }
0x51: {  	_ =	shalt  }
0x52: {  	_ =	shalt  }
0x53: {  	_ =	shalt  }
0x54: {  	_ =	shalt  }
0x55: {  	_ =	shalt  }
0x56: {  	_ =	shalt  }
0x57: {  	_ =	shalt  }
0x58: {  	_ =	shalt  }
0x59: {  	_ =	shalt  }
0x5a: {  	_ =	shalt  }
0x5b: {  	_ =	shalt  }
0x5c: {  	_ =	shalt  }
0x5d: {  	_ =	shalt  }
0x5e: {  	_ =	shalt  }
0x5f: {  	_ =	shalt  }
0x60: {  	_ =	shalt  }
0x61: {  	_ =	shalt  }
0x62: {  	_ =	shalt  }
0x63: {  	_ =	shalt  }
0x64: {  	_ =	shalt  }
0x65: {  	_ =	shalt  }
0x66: {  	_ =	shalt  }
0x67: {  	_ =	shalt  }
0x68: {  	_ =	shalt  }
0x69: {  	_ =	shalt  }
0x6a: {  	_ =	shalt  }
0x6b: {  	_ =	shalt  }
0x6c: {  	_ =	shalt  }
0x6d: {  	_ =	shalt  }
0x6e: {  	_ =	shalt  }
0x6f: {  	_ =	shalt  }
0x70: {  	_ =	shalt  }
0x71: {  	_ =	shalt  }
0x72: {  	_ =	shalt  }
0x73: {  	_ =	shalt  }
0x74: {  	_ =	shalt  }
0x75: {  	_ =	shalt  }
0x76: {  	_ =	shalt  }
0x77: {  	_ =	shalt  }
0x78: {  	_ =	shalt  }
0x79: {  	_ =	shalt  }
0x7a: {  	_ =	shalt  }
0x7b: {  	_ =	shalt  }
0x7c: {  	_ =	shalt  }
0x7d: {  	_ =	shalt  }
0x7e: {  	_ =	shalt  }
0x7f: {  	_ =	shalt  }
0x80: {  	_ =	shalt  }
0x81: {  	_ =	shalt  }
0x82: {  	_ =	shalt  }
0x83: {  	_ =	shalt  }
0x84: {  	_ =	shalt  }
0x85: {  	_ =	shalt  }
0x86: {  	_ =	shalt  }
0x87: {  	_ =	shalt  }
.Lfunc_end0:
.L_simem_size_0:
called_computation_lowered:
.L_overlay_start_0:
0x88: {  	s0 =	sld [smem:$0x3FD9]  }
0x89: {  	s1 =	sld [smem:$0x3FFE];
	_ =	sdelay $0x3  }
0x8a: {  	s0 =	sadd.s32 s1, s0  }
0x8b: {  	[smem:$0x3FC3] =	sst s0  }
0x8c: {  	_ = 	snop  }
0x8d: {  	s0 =	sld [smem:$0x3FD0];
	(tm) =	ssettm $0x1  }
0x8e: {  	s16 =	sld [smem:$0x3FFB];
	_ =	sdelay $0x3  }
0x8f: {  	_ =	strace s16  }
0x90: {  	s1 =	sld [smem:$0x3FFC];
	_ =	sdelay $0x3  }
0x91: {  	_ =	strace s1  }
0x92: {  	s1 =	sld [smem:$0x3FFD];
	_ =	sdelay $0x3  }
0x93: {  	_ =	strace s1  }
0x94: {  	_ =	strace $0x8FFFFFFF  }
0x95: {  	s17 =	sld [smem:$0x3FDB];
	_ =	sdelay $0x1  }
0x96: {  	s2 =	simm.s32 $_scs_section_size  }
0x97: {  	s3 =	simm.s32 $_size__tile_overlayer_lowered;
	s4 =	simm.s32 $_tile_overlayer_lowered  }
0x98: {  	s20 =	simm.s32 $0x1BFF;
	s19 =	sshll.u32 s4, $0x1;
	s1 =	sadd.s32 s2, s17  }
0x99: {  	s5 =	simm.s32 $0x0;
	s18 =	sshll.u32 s3, $0x1;
	s3 =	sadd.s32 s19, s1  }
0x9a: {  	[timem:s5], [sflag:s20] =	dma.local [hbm:s3], s18  }
0x9b: {  	_ =	swait.ge [sflag:s20], s18  }
0x9c: {  	s2 =	ssub.s32 $0x0, s18;
	[sflag:s20] =	ssyncset.done $0x0  }
0x9d: {  	[sflag:s20] =	ssyncadd.s32 s2;
	_ =	sdelay $0x1  }
0x9e: {  	s21 =	simm.s32 $0x1B8B  }
0x9f: {  	_ =	swait.ge [sflag:s21], $0x1  }
0xa0: {  	[sflag:s21] =	ssyncset.done $0x0  }
0xa1: {  	s23 =	simm.s32 $0x1B8E;
	s22 =	sld [smem:$0x3FFE];
	[sflag:s21] =	ssyncadd.s32 $0xFFFFFFFF  }
0xa2: {  	s24 =	simm.s32 $execute0_lowered;
	[smem:$0x3FD2] =	sst s23  }
0xa3: {  	s3 =	sshll.u32 s24, $0x1;
	_ =	strace $0x80000046;
	[dreg:$0x1] =	wrdreg $0xFFFFFFFF  }
0xa4: {  	s25 =	simm.s32 $_size_execute0_lowered;
	s1 =	sadd.s32 s1, s3;
	[dreg:$0x0] =	wrdreg $0x0  }
0xa5: {  	s3 =	sshll.u32 s25, $0x1;
	[dreg:$0x2] =	wrdreg s1  }
0xa6: {  	[dreg:$0x3] =	wrdreg s3  }
0xa7: {  	[dreg:$0x4] =	wrdreg $0xC0  }
0xa8: {  	_ =	task [dreg:s5], $0x5FFFF  }
0xa9: {  	[dreg:$0x1] =	wrdreg $0xFFFFFFFF  }
0xaa: {  	[dreg:$0x0] =	wrdreg $0x60  }
0xab: {  	[dreg:$0x2] =	wrdreg s22  }
0xac: {  	[dreg:$0x3] =	wrdreg s0  }
0xad: {  	[dreg:$0x4] =	wrdreg $0x9  }
0xae: {  	_ =	task.clear_ibuf [dreg:s5], $0x5FFFF;
	_ =	strace $0x90000046  }
0xaf: {  	s26 =	simm.s32 $0x9;
	_ =	strace $0x80000048  }
0xb0: {  	_ =	swait.ge [sflag:s26], $0x1  }
0xb1: {  	[sflag:s26] =	ssyncadd.s32 $0xFFFFFFFF  }
0xb2: {  	_ =	strace $0x90000048  }
0xb3: {  	_ =	sfence  }
0xb4: {  	s28 =	sld [smem:$0x0];
	_ =	sdelay $0x1  }
0xb5: {  	s29 =	srdreg.scid  }
0xb6: {  	s30 =	sshll.u32 s29, $0xD;
	s31 =	sshrl.u32 s29, $0x2  }
0xb7: {  	s2 =	sand.u32 $0x4000, s30;
	s1 =	sand.u32 $0x1, s29;
	s0 =	sadd.s32 s31, s28  }
0xb8: {  	s1 =	sor.u32 s2, s1;
	s0 =	sshll.u32 s0, $0x11  }
0xb9: {  	s0 =	sor.u32 s0, s1  }
0xba: {  	s0 =	sadd.s32 $0x8F2B, s0  }
0xbb: {  	[sflag:s0] =	ssyncadd.remote.s32 $0x1  }
0xbc: {  	_ =	sfence.sel $0xFFFF  }
0xbd: {  	[dreg:$0x0] =	wrdreg $0xFFFFFFFF;
	(pc) =	sbr.abs _section_cstart, $3  }
0xbe: {  	[dreg:$0x1] =	wrdreg $0xFFFFFFFF  }
0xbf: {  	_ =	task.clear_ibuf [dreg:s5], $0x2FFFF;
	_ =	strace $0x9FFFFFFF  }
0xc0: {  	(tm) =	ssettm $0x7FFFFFFF  }
0xc1: {  	_ =	shalt  }
tec
execute0_lowered:
.L_overlay_start_1:
0x0: {  	(tag) =	ssettag $0x1  }
0x1: {  	s5 =	rddreg [dreg:$0x0]  }
0x2: {  	s1 =	rddreg [dreg:$0x1]  }
0x3: {  	s0 =	rddreg [dreg:$0x2];
	_ =	strace $0x80000047;
	v0 =	vimm.f32 $6.280000210e+00  }
0x4: {  	(erf) = vrcp.f32 v0;
	_ =	sdelay $0x7  }
0x5: {  	s2 =	stileid.u32  }
0x6: {  	p0 =	sne.s32 s2, $0x0;
	v1 =	vpop (erf)  }
0x7: {  	_ =	sfence.sel @p0 $0x180000  }
0x8: {  	[bflag:$0x0] =	sbarrier.arrive @p0 $0xFFFF  }
0x9: {  	_ =	strace @p0 $0x90000047  }
0xa: {  	[bflag:$0x2] =	sbarrier.arrive @p0 $0xFFFF  }
0xb: {  	_ =	shalt @p0  }
.LBB2_1:
0xc: {  	v0 =	vimm.f32 $2.880000000e+02  }
0xd: {  	v34 =	vimm.f32 $6.283185480e+00;
	(erf) = vrcp.f32 v0  }
0xe: {  	(erf) = vrcp.f32 v34;
	_ =	sdelay $0x7  }
0xf: {  	s3 =	sadd.s32 $0xE00, s5;
	s2 =	simm.s32 $0x0;
	s24 =	simm.s32 $0x1;
	v0 =	vpop (erf)  }
0x10: {  	[tilespmem:s2], [sflag:$0x1] =	stream.linear.gather [hbm4b:s3+s2], $0x80, $0x38;
	v4 =	vpop (erf);
	[tilespmem:$0x280] =	vst v63  }
0x11: {  	_ =	swait.ge [sflag:s24], $0x80  }
0x12: {  	[sflag:s24] =	ssyncset.done $0x0  }
0x13: {  	s6 =	sadd.s32 $0x1000, s5;
	s4 =	simm.s32 $0x80;
	[sflag:s24] =	ssyncadd.s32 $0xFFFFFF80  }
0x14: {  	[tilespmem:s4], [sflag:$0x1] =	stream.linear.gather [hbm4b:s6+s2], $0x48, $0x38;
	[tilespmem:$0x280] =	vst v63  }
0x15: {  	_ =	swait.ge [sflag:s24], $0x48  }
0x16: {  	[sflag:s24] =	ssyncset.done $0x0  }
0x17: {  	s25 =	sadd.s32 $0x1200, s5;
	s7 =	simm.s32 $0xC8;
	[sflag:s24] =	ssyncadd.s32 $0xFFFFFFB8  }
0x18: {  	[tilespmem:s7], [sflag:$0x1] =	stream.linear.gather [hbm4b:s25+s2], $0x48, $0x38;
	[tilespmem:$0x280] =	vst v63  }
0x19: {  	_ =	swait.ge [sflag:s24], $0x48  }
0x1a: {  	[sflag:s24] =	ssyncset.done $0x0  }
0x1b: {  	s26 =	sadd.s32 $0x1400, s5;
	s28 =	simm.s32 $0x110;
	[sflag:s24] =	ssyncadd.s32 $0xFFFFFFB8  }
0x1c: {  	v3 =	vlaneseq.u32;
	[tilespmem:s28], [sflag:$0x1] =	stream.linear.gather [hbm4b:s26+s2], $0x48, $0x38;
	[tilespmem:$0x280] =	vst v63  }
0x1d: {  	v2 =	vmul.u32 $0x2, v3;
	_ =	swait.ge [sflag:s24], $0x48  }
0x1e: {  	[sflag:s24] =	ssyncset.done $0x0  }
0x1f: {  	s29 =	sadd.s32 $0x1600, s5;
	s30 =	simm.s32 $0x158;
	v13 =	vor.u32 $0x1, v2;
	[sflag:s24] =	ssyncadd.s32 $0xFFFFFFB8  }
0x20: {  	v11 =	vor.u32 $0x21, v2;
	[tilespmem:s30], [sflag:$0x1] =	stream.linear.gather [hbm4b:s29+s2], $0x48, $0x38;
	[tilespmem:$0x280] =	vst v63  }
0x21: {  	_ =	swait.ge [sflag:s24], $0x48  }
0x22: {  	[sflag:s24] =	ssyncset.done $0x0  }
0x23: {  	[sflag:s24] =	ssyncadd.s32 $0xFFFFFFB8  }
0x24: {  	v8 =	vld.idx.msk [tilespmem:v13+s2+$0x0], $0xffff  }
0x25: {  	v7 =	vld.idx.msk [tilespmem:v11+s2+$0x0], $0xffff;
	_ =	sdelay $0x3  }
0x26: {  	v5 =	vand.u32 $0x7FFFFFFF, v8  }
0x27: {  	v9 =	vand.u32 $0x7FFFFFFF, v7;
	v6 =	vmul.f32 v5, v4  }
0x28: {  	v10 =	vmul.f32 v9, v4  }
0x29: {  	v6 =	vfloor.f32 v6  }
0x2a: {  	v10 =	vfloor.f32 v10;
	v6 =	vmul.f32 $6.283185480e+00, v6  }
0x2b: {  	v10 =	vmul.f32 $6.283185480e+00, v10  }
0x2c: {  	v12 =	vor.u32 $0x20, v2;
	v5 =	vsub.f32 v5, v6  }
0x2d: {  	v14 =	vor.u32 $0x41, v2;
	v35 =	vsub.f32 v9, v10  }
0x2e: {  	vm0 =	veq.f32 v5, $6.283185480e+00  }
0x2f: {  	vm7 =	veq.f32 v35, $6.283185480e+00;
	v5 =	vsel vm0, $0x0, v5  }
0x30: {  	v36 =	vand.u32 $0x80000000, v8;
	v9 =	vld.idx.msk [tilespmem:v2+s2+$0x0], $0xffff;
	v6 =	vsel vm7, $0x0, v35;
	v5 =	vand.u32 $0x7FFFFFFF, v5  }
0x31: {  	v38 =	vand.u32 $0x80000000, v7;
	v10 =	vld.idx.msk [tilespmem:v12+s2+$0x0], $0xffff;
	v37 =	vand.u32 $0x7FFFFFFF, v6;
	v15 =	vor.u32 v36, v5  }
0x32: {  	v6 =	vor.u32 v38, v37;
	v5 =	vld.idx.msk [tilespmem:v14+s2+$0x0], $0xffff;
	v16 =	vadd.f32 $6.283185480e+00, v15  }
0x33: {  	vm8 =	vlt.f32 v15, $0.0e+00;
	v39 =	vadd.f32 $6.283185480e+00, v6  }
0x34: {  	vm9 =	vlt.f32 v6, $0.0e+00;
	v15 =	vsel vm8, v16, v15  }
0x35: {  	v6 =	vsel vm9, v39, v6;
	vm1 =	vlt.f32 v15, $5.235987900e-01  }
0x36: {  	vm0 =	vlt.f32 v6, $5.235987900e-01;
	v40 =	vnsel vm1, $0x0, v8;
	v15 =	vnsel vm1, $0x0, v9  }
0x37: {  	v6 =	vnsel vm0, $0x0, v7;
	v41 =	vnsel vm0, $0x0, v10;
	v42 =	vand.u32 $0x7FFFFFFF, v5;
	(xrf1) =	vsort.ascd.msk.f32 $0xffff, v40, v15  }
0x38: {  	v43 =	vmul.f32 v42, v4;
	(xrf1) =	vsort.ascd.msk.f32 $0xffff, v6, v41;
	_ =	sdelay $0x1  }
0x39: {  	v6 =	vfloor.f32 v43  }
0x3a: {  	v6 =	vmul.f32 $6.283185480e+00, v6;
	_ =	sdelay $0x1  }
0x3b: {  	v6 =	vsub.f32 v42, v6;
	_ =	sdelay $0x1  }
0x3c: {  	v44 =	vor.u32 $0x40, v2;
	vm10 =	veq.f32 v6, $6.283185480e+00  }
0x3d: {  	v6 =	vsel vm10, $0x0, v6  }
0x3e: {  	v45 =	vand.u32 $0x80000000, v5;
	v6 =	vand.u32 $0x7FFFFFFF, v6  }
0x3f: {  	v15 =	vor.u32 v45, v6  }
0x40: {  	v46 =	vadd.f32 $6.283185480e+00, v15  }
0x41: {  	v3 =	vmul.u32 $0xFFFFFFFF, v3;
	v6 =	vld.idx.msk [tilespmem:v44+s2+$0x0], $0xffff;
	vm11 =	vlt.f32 v15, $0.0e+00  }
0x42: {  	v15 =	vsel vm11, v46, v15;
	v47, v17, _ =	vpop (xrf1)  }
0x43: {  	v3 =	vadd.s32 $0xF, v3;
	vm0 =	vmmov $0xf;
	vm12 =	vlt.f32 v15, $5.235987900e-01;
	v48, v18, _ =	vpop (xrf1)  }
0x44: {  	vm1 =	vmand vm12, vm0;
	v49 =	vperm.xlane v48, v3  }
0x45: {  	v50 =	vnsel vm1, $0x0, v5;
	v18 =	vperm.xlane v18, v3  }
0x46: {  	v19 =	vnsel vm1, $0x0, v6;
	v16 =	vnsel vm0, $0x7F800000, v50;
	vm13 =	vle.f32 v47, v49  }
0x47: {  	(xrf1) =	vsort.ascd.msk.f32 $0xffff, v16, v19;
	v51 =	vsel vm13, v47, v49;
	v52 =	vsel vm13, v17, v18  }
0x48: {  	v14 =	vsel vm13, v49, v47;
	v53 =	vsel vm13, v18, v17;
	(xrf1) =	vsort.ascd.msk.f32 $0xffff, v51, v52  }
0x49: {  	(xrf1) =	vsort.ascd.msk.f32 $0xffff, v14, v53;
	_ =	sdelay $0xb  }
0x4a: {  	v14, v15, _ =	vpop (xrf1)  }
0x4b: {  	v14 =	vperm.xlane v14, v3;
	v16, v54, _ =	vpop (xrf1)  }
0x4c: {  	v15 =	vperm.xlane v15, v3;
	v56, v55, _ =	vpop (xrf1)  }
0x4d: {  	vm14 =	vle.f32 v56, v14  }
0x4e: {  	v20 =	vsel vm14, v56, v14;
	v21 =	vsel vm14, v55, v15  }
0x4f: {  	v57 =	vadd.f32 $-1.570796370e+00, v8;
	(xrf1) =	vsort.ascd.msk.f32 $0xffff, v20, v21  }
0x50: {  	v58 =	vadd.f32 $-1.570796370e+00, v7  }
0x51: {  	v22 =	vand.u32 $0x7FFFFFFF, v57  }
0x52: {  	v24 =	vand.u32 $0x7FFFFFFF, v58;
	v23 =	vmul.f32 v22, v4  }
0x53: {  	v25 =	vmul.f32 v24, v4  }
0x54: {  	v23 =	vfloor.f32 v23  }
0x55: {  	v25 =	vfloor.f32 v25;
	v23 =	vmul.f32 $6.283185480e+00, v23  }
0x56: {  	v25 =	vmul.f32 $6.283185480e+00, v25  }
0x57: {  	v22 =	vsub.f32 v22, v23  }
0x58: {  	v59 =	vsub.f32 v24, v25  }
0x59: {  	vm2 =	veq.f32 v22, $6.283185480e+00  }
0x5a: {  	vm4 =	veq.f32 v59, $6.283185480e+00;
	v22 =	vsel vm2, $0x0, v22  }
0x5b: {  	v22 =	vand.u32 $0x7FFFFFFF, v22;
	v30 =	vadd.f32 $-1.570796370e+00, v5;
	v18 =	vsel vm4, $0x0, v59  }
0x5c: {  	v18 =	vand.u32 $0x7FFFFFFF, v18;
	v14 =	vsel vm14, v14, v56;
	v20 =	vand.u32 $0x80000000, v57  }
0x5d: {  	v15 =	vsel vm14, v15, v55;
	v21 =	vand.u32 $0x80000000, v58;
	v20 =	vor.u32 v20, v22;
	v26, v27, _ =	vpop (xrf1)  }
0x5e: {  	v18 =	vor.u32 v21, v18;
	v63 =	vadd.f32 $6.283185480e+00, v20;
	v26 =	vperm.xlane v26, v3  }
0x5f: {  	vm5 =	vlt.f32 v20, $0.0e+00;
	v21 =	vadd.f32 $6.283185480e+00, v18;
	v60 =	vperm.xlane v27, v3  }
0x60: {  	(xrf1) =	vsort.ascd.msk.f32 $0xffff, v14, v15;
	vm6 =	vlt.f32 v18, $0.0e+00;
	v28 =	vsel vm5, v63, v20;
	vm15 =	vle.f32 v16, v26  }
0x61: {  	v29 =	vsel vm6, v21, v18;
	v61 =	vsel vm15, v16, v26;
	v62 =	vsel vm15, v54, v60  }
0x62: {  	vm2 =	vlt.f32 v28, $5.235987900e-01;
	v16 =	vsel vm15, v26, v16;
	v27 =	vsel vm15, v60, v54;
	(xrf1) =	vsort.ascd.msk.f32 $0xffff, v61, v62  }
0x63: {  	vm1 =	vlt.f32 v29, $5.235987900e-01;
	v31 =	vnsel vm2, $0x0, v8;
	v32 =	vnsel vm2, $0x0, v9;
	(xrf1) =	vsort.ascd.msk.f32 $0xffff, v16, v27  }
0x64: {  	v34 =	vand.u32 $0x7FFFFFFF, v30;
	v33 =	vnsel vm1, $0x0, v7;
	v15 =	vnsel vm1, $0x0, v10;
	(xrf1) =	vsort.ascd.msk.f32 $0xffff, v31, v32  }
0x65: {  	v35 =	vmul.f32 v34, v4;
	(xrf1) =	vsort.ascd.msk.f32 $0xffff, v33, v15;
	_ =	sdelay $0x1  }
0x66: {  	v14 =	vfloor.f32 v35  }
0x67: {  	v14 =	vmul.f32 $6.283185480e+00, v14;
	_ =	sdelay $0x1  }
0x68: {  	v14 =	vsub.f32 v34, v14;
	_ =	sdelay $0x1  }
0x69: {  	vm7 =	veq.f32 v14, $6.283185480e+00  }
0x6a: {  	v14 =	vsel vm7, $0x0, v14  }
0x6b: {  	v36 =	vand.u32 $0x80000000, v30;
	v14 =	vand.u32 $0x7FFFFFFF, v14  }
0x6c: {  	v14 =	vor.u32 v36, v14;
	v16, v18, _ =	vpop (xrf1)  }
0x6d: {  	v37 =	vadd.f32 $6.283185480e+00, v14;
	v15, v17, _ =	vpop (xrf1)  }
0x6e: {  	vm8 =	vlt.f32 v14, $0.0e+00;
	v19, v20, _ =	vpop (xrf1)  }
0x6f: {  	v14 =	vsel vm8, v37, v14;
	v22, v23, _ =	vpop (xrf1)  }
0x70: {  	vm1 =	vlt.f32 v14, $5.235987900e-01;
	v39, v38, _ =	vpop (xrf1)  }
0x71: {  	vm1 =	vmand vm1, vm0;
	v40 =	vperm.xlane v39, v3  }
0x72: {  	v41 =	vnsel vm1, $0x0, v5;
	v24 =	vperm.xlane v38, v3  }
0x73: {  	v42 =	vnsel vm1, $0x0, v6;
	v21 =	vnsel vm0, $0x7F800000, v41;
	vm9 =	vle.f32 v22, v40  }
0x74: {  	(xrf1) =	vsort.ascd.msk.f32 $0xffff, v21, v42;
	v43 =	vsel vm9, v22, v40;
	v44 =	vsel vm9, v23, v24  }
0x75: {  	v14 =	vsel vm9, v40, v22;
	v45 =	vsel vm9, v24, v23;
	(xrf1) =	vsort.ascd.msk.f32 $0xffff, v43, v44  }
0x76: {  	(xrf1) =	vsort.ascd.msk.f32 $0xffff, v14, v45;
	_ =	sdelay $0x3  }
0x77: {  	v30 =	vadd.f32 $-3.141592740e+00, v7;
	v28 =	vadd.f32 $-3.141592740e+00, v8;
	_ =	sdelay $0x1  }
0x78: {  	v34 =	vand.u32 $0x7FFFFFFF, v30;
	v32 =	vand.u32 $0x7FFFFFFF, v28  }
0x79: {  	v35 =	vmul.f32 v34, v4;
	v33 =	vmul.f32 v32, v4;
	_ =	sdelay $0x1  }
0x7a: {  	v55 =	vfloor.f32 v35;
	v37 =	vadd.f32 $-3.141592740e+00, v5;
	v33 =	vfloor.f32 v33  }
0x7b: {  	vm1 =	vcmask $0xF00;
	v54 =	vmul.f32 $6.283185480e+00, v33;
	v33 =	vmul.f32 $6.283185480e+00, v55  }
0x7c: {  	v41 =	vand.u32 $0x7FFFFFFF, v37;
	v61 =	vand.u32 $0x80000000, v30;
	v52 =	vand.u32 $0x7FFFFFFF, v17  }
0x7d: {  	v58 =	vsub.f32 v34, v33;
	v29 =	vand.u32 $0x7FFFFFFF, v15;
	v53 =	vmul.f32 v52, v1;
	v14, v21, _ =	vpop (xrf1)  }
0x7e: {  	v28 =	vand.u32 $0x80000000, v28;
	v31 =	vmul.f32 v29, v1;
	v14 =	vperm.xlane v14, v3;
	v46, v47, _ =	vpop (xrf1)  }
0x7f: {  	vm13 =	veq.f32 v58, $6.283185480e+00;
	v27 =	vfloor.f32 v53;
	v21 =	vperm.xlane v21, v3;
	v49, v48, _ =	vpop (xrf1)  }
0x80: {  	v31 =	vfloor.f32 v31;
	v27 =	vmul.f32 $6.280000210e+00, v27;
	vm10 =	vle.f32 v49, v14  }
0x81: {  	v31 =	vmul.f32 $6.280000210e+00, v31;
	v50 =	vsel vm10, v49, v14;
	v51 =	vsel vm10, v48, v21  }
0x82: {  	v17 =	vand.u32 $0x80000000, v17;
	v15 =	vand.u32 $0x80000000, v15;
	v26 =	vsub.f32 v52, v27;
	(xrf1) =	vsort.ascd.msk.f32 $0xffff, v50, v51  }
0x83: {  	v29 =	vsub.f32 v29, v31;
	v27 =	vsub.f32 v32, v54;
	v24 =	vsel vm13, $0x0, v58  }
0x84: {  	v58 =	vand.u32 $0x7FFFFFFF, v19;
	v19 =	vand.u32 $0x80000000, v19;
	v24 =	vand.u32 $0x7FFFFFFF, v24  }
0x85: {  	v43 =	vmul.f32 v41, v4;
	vm11 =	veq.f32 v26, $6.280000210e+00;
	vm3 =	veq.f32 v27, $6.283185480e+00  }
0x86: {  	v24 =	vor.u32 v61, v24;
	vm6 =	veq.f32 v29, $6.280000210e+00;
	v27 =	vsel vm3, $0x0, v27  }
0x87: {  	vm15 =	vlt.f32 v24, $0.0e+00;
	v42 =	vsel vm11, $0x0, v26;
	v27 =	vand.u32 $0x7FFFFFFF, v27  }
0x88: {  	v45 =	vsel vm6, $0x0, v29;
	v44 =	vand.u32 $0x7FFFFFFF, v42;
	v27 =	vor.u32 v28, v27  }
0x89: {  	v28 =	vadd.f32 $6.283185480e+00, v24;
	v14 =	vsel vm10, v14, v49;
	v21 =	vsel vm10, v21, v48  }
0x8a: {  	v17 =	vor.u32 v17, v44;
	v63 =	vadd.f32 $6.283185480e+00, v27;
	(xrf1) =	vsort.ascd.msk.f32 $0xffff, v14, v21;
	v14 =	vfloor.f32 v43  }
0x8b: {  	vm14 =	vlt.f32 v27, $0.0e+00;
	v36 =	vsel vm15, v28, v24;
	v14 =	vmul.f32 $6.283185480e+00, v14  }
0x8c: {  	vm7 =	vlt.f32 v17, $0.0e+00;
	v35 =	vsel vm14, v63, v27;
	vm2 =	vlt.f32 v36, $5.235987900e-01  }
0x8d: {  	vm3 =	vlt.f32 v35, $5.235987900e-01;
	v48 =	vand.u32 $0x7FFFFFFF, v20;
	v14 =	vsub.f32 v41, v14  }
0x8e: {  	v40 =	vnsel vm2, $0x0, v7;
	v38 =	vnsel vm3, $0x0, v8;
	v51 =	vmul.f32 v48, v1  }
0x8f: {  	v39 =	vnsel vm3, $0x0, v9;
	v20 =	vand.u32 $0x80000000, v20;
	vm9 =	veq.f32 v14, $6.283185480e+00  }
0x90: {  	v21 =	vnsel vm2, $0x0, v10;
	v54 =	vfloor.f32 v51;
	v53 =	vsel vm9, $0x0, v14;
	v57, v56, _ =	vpop (xrf1)  }
0x91: {  	v51 =	vimm.s32 $0x46444240;
	v55 =	vand.u32 $0x7FFFFFFF, v53;
	v31 =	vperm.xlane v57, v3  }
0x92: {  	v53 =	vimm.s32 $0x47454341;
	v59 =	vperm.xlane v56, v3;
	v57 =	vmul.f32 $6.280000210e+00, v54  }
0x93: {  	v56 =	vand.u32 $0x80000000, v37;
	v54 =	vunpack.c.0.s8.s32 v51;
	vm12 =	vle.f32 v46, v31  }
0x94: {  	v23 =	vsub.f32 v48, v57;
	v48 =	vand.u32 $0x7FFFFFFF, v16;
	v16 =	vand.u32 $0x80000000, v16  }
0x95: {  	v60 =	vsel vm12, v46, v31;
	v62 =	vsel vm12, v47, v59;
	v22 =	vsel vm12, v31, v46  }
0x96: {  	v34 =	vsel vm12, v59, v47;
	v46 =	vadd.f32 $6.280000210e+00, v17;
	v59 =	vor.u32 v56, v55  }
0x97: {  	v55 =	vunpack.c.0.s8.s32 v53;
	(xrf1) =	vsort.ascd.msk.f32 $0xffff, v60, v62;
	v60 =	vmul.f32 v58, v1;
	v61 =	vadd.f32 $6.283185480e+00, v59  }
0x98: {  	v47 =	vld.idx.msk [tilespmem:v2+s4+$0x0], $0xffff;
	vm10 =	vlt.f32 v59, $0.0e+00;
	vm11 =	veq.f32 v23, $6.280000210e+00;
	v17 =	vsel vm7, v46, v17  }
0x99: {  	(xrf1) =	vsort.ascd.msk.f32 $0xffff, v22, v34;
	v23 =	vsel vm11, $0x0, v23;
	v46 =	vand.u32 $0x7FFFFFFF, v18;
	v18 =	vand.u32 $0x80000000, v18  }
0x9a: {  	(xrf1) =	vsort.ascd.msk.f32 $0xffff, v38, v39;
	v17 =	vmul.f32 v17, v1;
	v62 =	vfloor.f32 v60;
	v28 =	vsel vm10, v61, v59  }
0x9b: {  	v23 =	vand.u32 $0x7FFFFFFF, v23;
	(xrf1) =	vsort.ascd.msk.f32 $0xffff, v40, v21;
	v21 =	vand.u32 $0x7FFFFFFF, v45;
	v24 =	vmul.f32 $6.280000210e+00, v62  }
0x9c: {  	vm12 =	vlt.f32 v28, $5.235987900e-01;
	v20 =	vor.u32 v20, v23;
	v15 =	vor.u32 v15, v21  }
0x9d: {  	v22 =	vsub.f32 v17, v47;
	vm13 =	vmand vm12, vm0;
	vm4 =	vlt.f32 v20, $0.0e+00  }
0x9e: {  	v12 =	vld.idx.msk [tilespmem:v12+s4+$0x0], $0xffff;
	v23 =	vadd.f32 $6.280000210e+00, v20;
	v47 =	vmul.f32 v46, v1;
	v21 =	vadd.f32 $6.280000210e+00, v15  }
0x9f: {  	v49 =	vld.idx.msk [tilespmem:v13+s4+$0x0], $0xffff;
	vm8 =	vlt.f32 v15, $0.0e+00;
	v24 =	vsub.f32 v58, v24;
	v40 =	vnsel vm13, $0x0, v5  }
0xa0: {  	v42 =	vnsel vm13, $0x0, v6;
	v22 =	vmul.f32 v22, v22;
	v27 =	vnsel vm0, $0x7F800000, v40  }
0xa1: {  	v20 =	vsel vm4, v23, v20;
	v23 =	vfloor.f32 v47;
	v50 =	vsel vm8, v21, v15  }
0xa2: {  	vm15 =	veq.f32 v24, $6.280000210e+00;
	v20 =	vmul.f32 v20, v1;
	v52 =	vmul.f32 v50, v1  }
0xa3: {  	v24 =	vsel vm15, $0x0, v24;
	v50 =	vmul.f32 $6.280000210e+00, v23;
	v23 =	vnsel vm1, $0x1, v55  }
0xa4: {  	v24 =	vand.u32 $0x7FFFFFFF, v24;
	v12 =	vsub.f32 v20, v12;
	v25 =	vsub.f32 v52, v49  }
0xa5: {  	v19 =	vor.u32 v19, v24;
	v49 =	vmul.f32 v48, v1;
	v20 =	vsub.f32 v46, v50  }
0xa6: {  	v24 =	vadd.f32 $6.280000210e+00, v19;
	vm5 =	vlt.f32 v19, $0.0e+00;
	v12 =	vmul.f32 v12, v12  }
0xa7: {  	v11 =	vld.idx.msk [tilespmem:v11+s4+$0x0], $0xffff;
	v25 =	vmul.f32 v25, v25;
	v52 =	vfloor.f32 v49;
	vm6 =	veq.f32 v20, $6.280000210e+00  }
0xa8: {  	v13, v14, _ =	vpop (xrf1);
	v19 =	vsel vm5, v24, v19;
	v24 =	vmul.f32 $6.280000210e+00, v52;
	v20 =	vsel vm6, $0x0, v20  }
0xa9: {  	v21, v30, _ =	vpop (xrf1);
	v19 =	vmul.f32 v19, v1;
	v20 =	vand.u32 $0x7FFFFFFF, v20;
	v22 =	vadd.f32 v25, v22  }
0xaa: {  	v15, v17, _ =	vpop (xrf1);
	v24 =	vsub.f32 v48, v24;
	v18 =	vor.u32 v18, v20;
	v61 =	vand.u32 $0x7FFFFFFF, v30  }
0xab: {  	v46 =	vand.u32 $0x80000000, v30;
	v30 =	vand.u32 $0x7FFFFFFF, v13;
	v13 =	vand.u32 $0x80000000, v13;
	v63, v36, _ =	vpop (xrf1)  }
0xac: {  	v11 =	vsub.f32 v19, v11;
	v19 =	vnsel vm1, $0x0, v54;
	v60 =	vadd.f32 $6.280000210e+00, v18;
	v38, v37, _ =	vpop (xrf1)  }
0xad: {  	vm9 =	vlt.f32 v18, $0.0e+00;
	vm7 =	veq.f32 v24, $6.280000210e+00;
	v39 =	vperm.xlane v38, v3  }
0xae: {  	v41 =	vperm.xlane v37, v3;
	v58 =	vsel vm7, $0x0, v24;
	v37 =	vmul.f32 v61, v1  }
0xaf: {  	v18 =	vsel vm9, v60, v18;
	v11 =	vmul.f32 v11, v11;
	v20 =	vand.u32 $0x7FFFFFFF, v58  }
0xb0: {  	(xrf1) =	vsort.ascd.msk.f32 $0xffff, v27, v42;
	v18 =	vmul.f32 v18, v1;
	v58 =	vadd.s32 $0x49, v2;
	vm14 =	vle.f32 v63, v39  }
0xb1: {  	v16 =	vor.u32 v16, v20;
	v43 =	vsel vm14, v63, v39;
	v44 =	vsel vm14, v36, v41  }
0xb2: {  	v38 =	vfloor.f32 v37;
	v26 =	vsel vm14, v39, v63;
	v45 =	vsel vm14, v41, v36;
	(xrf1) =	vsort.ascd.msk.f32 $0xffff, v43, v44  }
0xb3: {  	v23 =	vld.idx.msk [tilespmem:v23+s4+$0x0], $0xffff;
	v11 =	vadd.f32 v11, v12;
	v36 =	vadd.f32 $6.280000210e+00, v16;
	vm10 =	vlt.f32 v16, $0.0e+00;
	(xrf1) =	vsort.ascd.msk.f32 $0xffff, v26, v45  }
0xb4: {  	v19 =	vld.idx.msk [tilespmem:v19+s4+$0x0], $0xffff;
	v32 =	vmul.f32 $6.280000210e+00, v38;
	v39 =	vand.u32 $0x7FFFFFFF, v21;
	v21 =	vand.u32 $0x80000000, v21  }
0xb5: {  	v38 =	vadd.f32 $-4.712388990e+00, v5;
	v40 =	vmul.f32 v39, v1;
	v43 =	vadd.f32 $-4.712388990e+00, v8  }
0xb6: {  	v16 =	vsel vm10, v36, v16;
	v20 =	vsub.f32 v61, v32;
	v45 =	vadd.f32 $-4.712388990e+00, v7  }
0xb7: {  	v16 =	vmul.f32 v16, v1;
	v42 =	vfloor.f32 v40;
	v47 =	vand.u32 $0x7FFFFFFF, v43  }
0xb8: {  	vm11 =	veq.f32 v20, $6.280000210e+00;
	v48 =	vmul.f32 v47, v4;
	v49 =	vand.u32 $0x7FFFFFFF, v45  }
0xb9: {  	v18 =	vsub.f32 v18, v19;
	v16 =	vsub.f32 v16, v23;
	v20 =	vsel vm11, $0x0, v20  }
0xba: {  	v50 =	vmul.f32 v49, v4;
	v23 =	vand.u32 $0x80000000, v43;
	v44 =	vand.u32 $0x7FFFFFFF, v20  }
0xbb: {  	v25 =	vfloor.f32 v48;
	v20 =	vand.u32 $0x80000000, v45;
	v41 =	vmul.f32 v18, v18  }
0xbc: {  	v45 =	vand.u32 $0x7FFFFFFF, v15;
	v16 =	vmul.f32 v16, v16;
	v18 =	vmul.f32 $6.280000210e+00, v42  }
0xbd: {  	v25 =	vmul.f32 $6.283185480e+00, v25;
	v32 =	vfloor.f32 v50;
	v42 =	vand.u32 $0x7FFFFFFF, v38  }
0xbe: {  	v15 =	vand.u32 $0x80000000, v15;
	v56, v57, _ =	vpop (xrf1);
	v32 =	vmul.f32 $6.283185480e+00, v32;
	v4 =	vmul.f32 v42, v4  }
0xbf: {  	v26 =	vperm.xlane v56, v3;
	v27 =	vperm.xlane v57, v3;
	v12 =	vadd.f32 v16, v41  }
0xc0: {  	v18 =	vsub.f32 v39, v18;
	v16 =	vor.u32 v46, v44;
	v19 =	vsub.f32 v47, v25;
	v59, v28, _ =	vpop (xrf1)  }
0xc1: {  	v57 =	vadd.s32 $0x48, v2;
	v39 =	vadd.f32 v11, v22;
	v46 =	vmul.f32 v45, v1;
	v29, v31, _ =	vpop (xrf1)  }
0xc2: {  	v47 =	vand.u32 $0x80000000, v17;
	vm12 =	vlt.f32 v16, $0.0e+00;
	vm8 =	vle.f32 v29, v26  }
0xc3: {  	v51 =	vadd.f32 $6.280000210e+00, v16;
	v62 =	vsel vm8, v29, v26;
	v63 =	vsel vm8, v31, v27  }
0xc4: {  	v54 =	vsub.f32 v49, v32;
	v4 =	vfloor.f32 v4;
	v49 =	vadd.s32 $0x68, v2;
	(xrf1) =	vsort.ascd.msk.f32 $0xffff, v62, v63  }
0xc5: {  	v32 =	vld.idx.msk [tilespmem:v58+s4+$0x0], $0xffff;
	v58 =	vimm.s32 $0x8E8C8A88;
	vm4 =	veq.f32 v18, $6.280000210e+00;
	vm14 =	veq.f32 v19, $6.283185480e+00  }
0xc6: {  	v40 =	vnsel vm0, $0x0, v12;
	v4 =	vmul.f32 $6.283185480e+00, v4;
	v18 =	vsel vm4, $0x0, v18  }
0xc7: {  	v16 =	vsel vm12, v51, v16;
	v19 =	vsel vm14, $0x0, v19;
	vm15 =	veq.f32 v54, $6.283185480e+00  }
0xc8: {  	v51 =	vadd.s32 $0x69, v2;
	v18 =	vand.u32 $0x7FFFFFFF, v18;
	v25 =	vsel vm15, $0x0, v54  }
0xc9: {  	v19 =	vand.u32 $0x7FFFFFFF, v19;
	v16 =	vmul.f32 v16, v1;
	v12 =	vsub.f32 v42, v4  }
0xca: {  	v18 =	vor.u32 v21, v18;
	v19 =	vor.u32 v23, v19;
	v60 =	vand.u32 $0x7FFFFFFF, v25  }
0xcb: {  	v20 =	vor.u32 v20, v60;
	vm4 =	vlt.f32 v19, $0.0e+00;
	v53 =	vsel vm8, v26, v29;
	v29 =	vld.idx.msk [tilespmem:v57+s4+$0x0], $0xffff  }
0xcc: {  	vm6 =	vlt.f32 v18, $0.0e+00;
	v33 =	vadd.f32 $6.280000210e+00, v18;
	vm11 =	veq.f32 v12, $6.283185480e+00  }
0xcd: {  	v60 =	vand.u32 $0x7FFFFFFF, v14;
	v14 =	vand.u32 $0x80000000, v14;
	v12 =	vsel vm11, $0x0, v12  }
0xce: {  	vm5 =	vlt.f32 v20, $0.0e+00;
	v18 =	vsel vm6, v33, v18;
	v12 =	vand.u32 $0x7FFFFFFF, v12  }
0xcf: {  	v55 =	vsel vm8, v27, v31;
	v31 =	vand.u32 $0x7FFFFFFF, v17;
	v62 =	vadd.f32 $6.283185480e+00, v19  }
0xd0: {  	v63 =	vadd.f32 $6.283185480e+00, v20;
	v41 =	vsub.f32 v16, v29;
	v16 =	vfloor.f32 v46  }
0xd1: {  	v36 =	vmul.f32 v18, v1;
	v18 =	vand.u32 $0x80000000, v38;
	v48 =	vmul.f32 $6.280000210e+00, v16  }
0xd2: {  	v12 =	vor.u32 v18, v12;
	v19 =	vsel vm4, v62, v19;
	v20 =	vsel vm5, v63, v20;
	v34, v52, _ =	vpop (xrf1)  }
0xd3: {  	vm7 =	vlt.f32 v19, $5.235987900e-01;
	v11 =	vsub.f32 v45, v48;
	v34 =	vperm.xlane v34, v3  }
0xd4: {  	v63 =	vmul.f32 v60, v1;
	vm8 =	vlt.f32 v20, $5.235987900e-01;
	v8 =	vnsel vm7, $0x0, v8  }
0xd5: {  	v9 =	vnsel vm7, $0x0, v9;
	vm12 =	veq.f32 v11, $6.280000210e+00;
	vm13 =	vle.f32 v59, v34  }
0xd6: {  	v7 =	vnsel vm8, $0x0, v7;
	v11 =	vsel vm12, $0x0, v11;
	v56 =	vsel vm13, v59, v34  }
0xd7: {  	v24 =	vsel vm13, v34, v59;
	v59 =	vperm.xlane v52, v3;
	v34 =	vmul.f32 v31, v1  }
0xd8: {  	(xrf1) =	vsort.ascd.msk.f32 $0xffff, v53, v55;
	v35 =	vnsel vm8, $0x0, v10;
	v44 =	vmul.f32 v41, v41;
	v11 =	vand.u32 $0x7FFFFFFF, v11  }
0xd9: {  	v11 =	vor.u32 v15, v11;
	v61 =	vsel vm13, v28, v59;
	v37 =	vfloor.f32 v34  }
0xda: {  	vm14 =	vlt.f32 v11, $0.0e+00;
	v28 =	vsel vm13, v59, v28;
	(xrf1) =	vsort.ascd.msk.f32 $0xffff, v56, v61;
	v10 =	vmul.f32 $6.280000210e+00, v37  }
0xdb: {  	v33 =	vadd.f32 $6.280000210e+00, v11;
	vm13 =	vlt.f32 v12, $0.0e+00;
	v56 =	vadd.f32 $6.283185480e+00, v12;
	(xrf1) =	vsort.ascd.msk.f32 $0xffff, v24, v28  }
0xdc: {  	v34 =	vunpack.c.0.s8.s32 v58;
	(xrf1) =	vsort.ascd.msk.f32 $0xffff, v8, v9;
	v9 =	vsub.f32 v36, v32;
	v43 =	vsub.f32 v31, v10  }
0xdd: {  	v12 =	vsel vm13, v56, v12;
	v31 =	vmul.f32 v30, v1;
	v36 =	vimm.s32 $0x8F8D8B89;
	(xrf1) =	vsort.ascd.msk.f32 $0xffff, v7, v35  }
0xde: {  	v7 =	vadd.f32 v40, v39;
	vm2 =	vlt.f32 v12, $5.235987900e-01;
	v35 =	vfloor.f32 v63  }
0xdf: {  	v38 =	vunpack.c.0.s8.s32 v36;
	v40 =	vand.u32 $0xFF, v34;
	v9 =	vmul.f32 v9, v9  }
0xe0: {  	vm9 =	veq.f32 v43, $6.280000210e+00;
	vm2 =	vmand vm2, vm0;
	v18 =	vmul.f32 $6.280000210e+00, v35  }
0xe1: {  	v37 =	vfloor.f32 v31;
	v8 =	vsel vm9, $0x0, v43;
	v5 =	vnsel vm2, $0x0, v5  }
0xe2: {  	v6 =	vnsel vm2, $0x0, v6;
	v39 =	vmul.f32 $6.280000210e+00, v37;
	v9 =	vadd.f32 v9, v44  }
0xe3: {  	v8 =	vand.u32 $0x7FFFFFFF, v8;
	v5 =	vnsel vm0, $0x7F800000, v5;
	v41 =	vsub.f32 v60, v18  }
0xe4: {  	v21 =	vld.idx.msk [tilespmem:v51+s4+$0x0], $0xffff;
	v60 =	vadd.s32 $0x90, v2;
	v8 =	vor.u32 v47, v8;
	v42 =	vsub.f32 v30, v39  }
0xe5: {  	v32 =	vld.idx.msk [tilespmem:v49+s4+$0x0], $0xffff;
	v9 =	vadd.f32 v9, v7;
	v50 =	vadd.f32 $6.280000210e+00, v8;
	vm10 =	vlt.f32 v8, $0.0e+00  }
0xe6: {  	v4, v7, _ =	vpop (xrf1);
	(xrf1) =	vsort.ascd.msk.f32 $0xffff, v5, v6;
	v6 =	vsel vm14, v33, v11;
	v11 =	vand.u32 $0xFF, v38;
	vm5 =	veq.f32 v42, $6.280000210e+00  }
0xe7: {  	v6 =	vmul.f32 v6, v1;
	v17 =	vsel vm10, v50, v8;
	v16 =	vsel vm5, $0x0, v42  }
0xe8: {  	vm4 =	veq.f32 v41, $6.280000210e+00;
	v17 =	vmul.f32 v17, v1;
	v43 =	vand.u32 $0x7FFFFFFF, v16;
	v19, v20, _ =	vpop (xrf1)  }
0xe9: {  	v11 =	vnsel vm1, $0x49, v11;
	v6 =	vsub.f32 v6, v21;
	v13 =	vor.u32 v13, v43;
	v8, v10, _ =	vpop (xrf1)  }
0xea: {  	v43 =	vand.u32 $0x7FFFFFFF, v7;
	v7 =	vand.u32 $0x80000000, v7;
	v5 =	vsub.f32 v17, v32;
	v52, v53, _ =	vpop (xrf1)  }
0xeb: {  	vm7 =	vlt.f32 v13, $0.0e+00;
	v6 =	vmul.f32 v6, v6;
	v32 =	vadd.s32 $0xB0, v2;
	v55, v54, _ =	vpop (xrf1)  }
0xec: {  	v5 =	vmul.f32 v5, v5;
	v45 =	vand.u32 $0x7FFFFFFF, v20;
	v57 =	vperm.xlane v55, v3  }
0xed: {  	v48 =	vand.u32 $0x7FFFFFFF, v19;
	v20 =	vand.u32 $0x80000000, v20;
	v59 =	vperm.xlane v54, v3  }
0xee: {  	v19 =	vand.u32 $0x80000000, v19;
	v46 =	vmul.f32 v45, v1;
	vm15 =	vle.f32 v52, v57  }
0xef: {  	v50 =	vmul.f32 v48, v1;
	v61 =	vsel vm15, v52, v57;
	v62 =	vsel vm15, v53, v59  }
0xf0: {  	v29 =	vand.u32 $0x7FFFFFFF, v8;
	v15 =	vsel vm15, v57, v52;
	v12 =	vsel vm15, v59, v53;
	(xrf1) =	vsort.ascd.msk.f32 $0xffff, v61, v62  }
0xf1: {  	v8 =	vand.u32 $0x80000000, v8;
	v5 =	vadd.f32 v6, v5;
	v30 =	vmul.f32 v29, v1;
	(xrf1) =	vsort.ascd.msk.f32 $0xffff, v15, v12  }
0xf2: {  	v47 =	vfloor.f32 v46;
	v55 =	vand.u32 $0x7FFFFFFF, v10;
	v10 =	vand.u32 $0x80000000, v10  }
0xf3: {  	v46 =	vadd.s32 $0xB1, v2;
	v49 =	vmul.f32 $6.280000210e+00, v47;
	v15 =	vsel vm4, $0x0, v41  }
0xf4: {  	v56 =	vmul.f32 v55, v1;
	v12 =	vnsel vm1, $0x48, v40;
	v15 =	vand.u32 $0x7FFFFFFF, v15  }
0xf5: {  	v31 =	vfloor.f32 v30;
	v5 =	vadd.f32 v9, v5;
	v14 =	vor.u32 v14, v15  }
0xf6: {  	v47 =	vmul.f32 v43, v1;
	v6 =	vsub.f32 v45, v49;
	v44 =	vadd.f32 $6.280000210e+00, v14  }
0xf7: {  	v59 =	vfloor.f32 v56;
	v15 =	vadd.f32 $6.280000210e+00, v13;
	vm6 =	vlt.f32 v14, $0.0e+00  }
0xf8: {  	v11 =	vld.idx.msk [tilespmem:v11+s4+$0x0], $0xffff;
	v49 =	vand.u32 $0x7FFFFFFF, v4;
	v16 =	vmul.f32 $6.280000210e+00, v59;
	v14 =	vsel vm6, v44, v14  }
0xf9: {  	vm9 =	veq.f32 v6, $6.280000210e+00;
	v13 =	vsel vm7, v15, v13;
	v12 =	vld.idx.msk [tilespmem:v12+s4+$0x0], $0xffff;
	v14 =	vmul.f32 v14, v1  }
0xfa: {  	v4 =	vand.u32 $0x80000000, v4;
	v6 =	vsel vm9, $0x0, v6;
	v13 =	vmul.f32 v13, v1  }
0xfb: {  	v51, v52, _ =	vpop (xrf1);
	v61 =	vadd.s32 $0x91, v2;
	v16 =	vsub.f32 v55, v16;
	v6 =	vand.u32 $0x7FFFFFFF, v6  }
0xfc: {  	v18 =	vperm.xlane v51, v3;
	v21 =	vperm.xlane v52, v3;
	v6 =	vor.u32 v20, v6  }
0xfd: {  	v51 =	vmul.f32 v49, v1;
	vm13 =	veq.f32 v16, $6.280000210e+00;
	v62 =	vadd.f32 $6.280000210e+00, v6  }
0xfe: {  	v15 =	vfloor.f32 v50;
	v11 =	vsub.f32 v13, v11;
	v12 =	vsub.f32 v14, v12;
	v13, v14, _ =	vpop (xrf1)  }
0xff: {  	vm11 =	vlt.f32 v6, $0.0e+00;
	v16 =	vsel vm13, $0x0, v16;
	v50 =	vimm.s32 $0xD6D4D2D0;
	v54, v53, _ =	vpop (xrf1)  }
0x100: {  	v28 =	vld.idx.msk [tilespmem:v60+s4+$0x0], $0xffff;
	v15 =	vmul.f32 $6.280000210e+00, v15;
	v16 =	vand.u32 $0x7FFFFFFF, v16;
	vm8 =	vle.f32 v54, v18  }
0x101: {  	v6 =	vsel vm11, v62, v6;
	v57 =	vsel vm8, v54, v18;
	v58 =	vsel vm8, v53, v21  }
0x102: {  	v52 =	vunpack.c.0.s8.s32 v50;
	v10 =	vor.u32 v10, v16;
	v15 =	vsub.f32 v48, v15;
	(xrf1) =	vsort.ascd.msk.f32 $0xffff, v57, v58  }
0x103: {  	v40 =	vld.idx.msk [tilespmem:v32+s4+$0x0], $0xffff;
	v6 =	vmul.f32 v6, v1;
	v16 =	vadd.f32 $6.280000210e+00, v10;
	vm14 =	vlt.f32 v10, $0.0e+00  }
0x104: {  	v48 =	vfloor.f32 v47;
	v47 =	vadd.s32 $0xF8, v2;
	vm10 =	veq.f32 v15, $6.280000210e+00  }
0x105: {  	v33 =	vsel vm14, v16, v10;
	v6 =	vsub.f32 v6, v28;
	v15 =	vsel vm10, $0x0, v15  }
0x106: {  	v11 =	vmul.f32 v11, v11;
	v9 =	vmul.f32 v33, v1;
	v15 =	vand.u32 $0x7FFFFFFF, v15  }
0x107: {  	v6 =	vmul.f32 v6, v6;
	v12 =	vmul.f32 v12, v12;
	v63 =	vor.u32 v19, v15  }
0x108: {  	v9 =	vsub.f32 v9, v40;
	v15 =	vand.u32 $0xFF, v52;
	v19 =	vadd.f32 $6.280000210e+00, v63  }
0x109: {  	v20 =	vld.idx.msk [tilespmem:v61+s4+$0x0], $0xffff;
	vm12 =	vlt.f32 v63, $0.0e+00;
	v15 =	vnsel vm1, $0x90, v15;
	v11 =	vadd.f32 v11, v12  }
0x10a: {  	v9 =	vmul.f32 v9, v9;
	v12 =	vsel vm12, v19, v63;
	v19 =	vmul.f32 $6.280000210e+00, v31  }
0x10b: {  	v12 =	vmul.f32 v12, v1;
	v34 =	vnsel vm0, $0x0, v11;
	v41 =	vsel vm8, v18, v54  }
0x10c: {  	v42 =	vsel vm8, v21, v53;
	v53 =	vimm.s32 $0xD7D5D3D1;
	v54 =	vfloor.f32 v51  }
0x10d: {  	v36 =	vsub.f32 v29, v19;
	v17 =	vunpack.c.0.s8.s32 v53;
	v18 =	vmul.f32 $6.280000210e+00, v54  }
0x10e: {  	v5 =	vadd.f32 v5, v34;
	v53 =	vimm.s32 $0xD9;
	v35 =	vsub.f32 v12, v20  }
0x10f: {  	vm15 =	veq.f32 v36, $6.280000210e+00;
	v17 =	vand.u32 $0xFF, v17;
	v16 =	vsub.f32 v49, v18  }
0x110: {  	(xrf1) =	vsort.ascd.msk.f32 $0xffff, v41, v42;
	v11 =	vmul.f32 v35, v35;
	v12 =	vsel vm15, $0x0, v36;
	v58 =	vnsel vm1, $0x91, v17;
	v38, v37, _ =	vpop (xrf1)  }
0x111: {  	v12 =	vand.u32 $0x7FFFFFFF, v12;
	vm9 =	veq.f32 v16, $6.280000210e+00;
	v39 =	vperm.xlane v38, v3  }
0x112: {  	v8 =	vor.u32 v8, v12;
	v12 =	vmul.f32 $6.280000210e+00, v48;
	v3 =	vperm.xlane v37, v3  }
0x113: {  	v60 =	vsel vm9, $0x0, v16;
	v55 =	vadd.f32 $6.280000210e+00, v8;
	vm6 =	vle.f32 v13, v39  }
0x114: {  	v61 =	vand.u32 $0x7FFFFFFF, v60;
	v44 =	vsel vm6, v13, v39;
	v45 =	vsel vm6, v14, v3  }
0x115: {  	vm7 =	vlt.f32 v8, $0.0e+00;
	v12 =	vsub.f32 v43, v12;
	v4 =	vor.u32 v4, v61;
	(xrf1) =	vsort.ascd.msk.f32 $0xffff, v44, v45  }
0x116: {  	v6 =	vadd.f32 v11, v6;
	v57 =	vsel vm7, v55, v8;
	v24 =	vadd.f32 $6.280000210e+00, v4  }
0x117: {  	v8 =	vld.idx.msk [tilespmem:v58+s4+$0x0], $0xffff;
	vm8 =	veq.f32 v12, $6.280000210e+00;
	v10 =	vsel vm6, v39, v13;
	v3 =	vsel vm6, v3, v14  }
0x118: {  	v48 =	vimm.s32 $0xD8;
	vm11 =	vlt.f32 v4, $0.0e+00;
	v59 =	vsel vm8, $0x0, v12;
	(xrf1) =	vsort.ascd.msk.f32 $0xffff, v10, v3  }
0x119: {  	vm9 =	vcmask $0xB08;
	v4 =	vsel vm11, v24, v4;
	v10 =	vand.u32 $0x7FFFFFFF, v59  }
0x11a: {  	v56 =	vld.idx.msk [tilespmem:v46+s4+$0x0], $0xffff;
	vm7 =	vcmask $0x300;
	v4 =	vmul.f32 v4, v1;
	v7 =	vor.u32 v7, v10  }
0x11b: {  	v20 =	vld.idx.msk [tilespmem:v15+s4+$0x0], $0xffff;
	v5 =	vadd.f32 v6, v5;
	v18 =	vsel vm7, $0x119, v53;
	v21 =	vadd.f32 $6.280000210e+00, v7  }
0x11c: {  	vm8 =	vcmask $0x704;
	v4 =	vsub.f32 v4, v8;
	vm10 =	vlt.f32 v7, $0.0e+00  }
0x11d: {  	v18 =	vsel vm8, $0x11B, v18;
	v3 =	vmul.f32 v57, v1;
	v7 =	vsel vm10, v21, v7  }
0x11e: {  	v54 =	vsel vm9, $0x11D, v18;
	v63, v62, _ =	vpop (xrf1);
	v4 =	vmul.f32 v4, v4;
	v7 =	vmul.f32 v7, v1  }
0x11f: {  	v38 =	vadd.s32 $0xD8, v2;
	v49 =	vand.u32 $0x7FFFFFFF, v62;
	v3 =	vsub.f32 v3, v56  }
0x120: {  	v51 =	vand.u32 $0x7FFFFFFF, v63;
	v50 =	vmul.f32 v49, v1;
	v7 =	vsub.f32 v7, v20  }
0x121: {  	v12 =	vand.u32 $0x80000000, v63;
	v52 =	vmul.f32 v51, v1;
	v3 =	vmul.f32 v3, v3  }
0x122: {  	v39 =	vadd.s32 $0xD9, v2;
	v2 =	vadd.s32 $0xF9, v2;
	v31 =	vmul.f32 v7, v7  }
0x123: {  	v13 =	vand.u32 $0x80000000, v62;
	v17 =	vfloor.f32 v52;
	v3 =	vadd.f32 v3, v9;
	v23, v22, _ =	vpop (xrf1)  }
0x124: {  	v17 =	vmul.f32 $6.280000210e+00, v17;
	v4 =	vadd.f32 v4, v31;
	v28 =	vand.u32 $0x7FFFFFFF, v23  }
0x125: {  	vm10 =	vcmask $0xF0C;
	v3 =	vadd.f32 v5, v3;
	v30 =	vmul.f32 v28, v1  }
0x126: {  	v4 =	vnsel vm0, $0x0, v4;
	v25 =	vand.u32 $0x7FFFFFFF, v22;
	v35, v34, _ =	vpop (xrf1);
	v16 =	vand.u32 $0x80000000, v22  }
0x127: {  	v26 =	vmul.f32 v25, v1;
	v36 =	vand.u32 $0x7FFFFFFF, v34;
	v33 =	vfloor.f32 v30  }
0x128: {  	v10 =	vand.u32 $0x80000000, v23;
	v37 =	vmul.f32 v36, v1;
	v8 =	vmul.f32 $6.280000210e+00, v33  }
0x129: {  	v3 =	vadd.f32 v3, v4;
	v42 =	vand.u32 $0x7FFFFFFF, v35;
	v27 =	vfloor.f32 v26  }
0x12a: {  	v29 =	vmul.f32 $6.280000210e+00, v27;
	v11 =	vfloor.f32 v37;
	v8 =	vsub.f32 v28, v8  }
0x12b: {  	v9 =	vand.u32 $0x80000000, v34;
	v43 =	vmul.f32 v42, v1;
	v11 =	vmul.f32 $6.280000210e+00, v11  }
0x12c: {  	v5 =	vand.u32 $0x80000000, v35;
	v32 =	vsub.f32 v25, v29;
	vm13 =	veq.f32 v8, $6.280000210e+00  }
0x12d: {  	v44 =	vfloor.f32 v43;
	v6 =	vsub.f32 v36, v11;
	v8 =	vsel vm13, $0x0, v8  }
0x12e: {  	v45 =	vmul.f32 $6.280000210e+00, v44;
	vm12 =	veq.f32 v32, $6.280000210e+00;
	v8 =	vand.u32 $0x7FFFFFFF, v8  }
0x12f: {  	v7 =	vsel vm12, $0x0, v32;
	vm4 =	veq.f32 v6, $6.280000210e+00;
	v8 =	vor.u32 v10, v8  }
0x130: {  	v15 =	vld.idx.msk [tilespmem:v39+s4+$0x0], $0xffff;
	v7 =	vand.u32 $0x7FFFFFFF, v7;
	v6 =	vsel vm4, $0x0, v6;
	v41 =	vadd.f32 $6.280000210e+00, v8  }
0x131: {  	v7 =	vor.u32 v16, v7;
	v6 =	vand.u32 $0x7FFFFFFF, v6;
	vm15 =	vlt.f32 v8, $0.0e+00  }
0x132: {  	v10 =	vsel vm7, $0x118, v48;
	v16 =	vadd.f32 $6.280000210e+00, v7;
	v8 =	vsel vm15, v41, v8  }
0x133: {  	vm14 =	vlt.f32 v7, $0.0e+00;
	v6 =	vor.u32 v9, v6;
	v8 =	vmul.f32 v8, v1  }
0x134: {  	v9 =	vsub.f32 v42, v45;
	v10 =	vsel vm8, $0x11A, v10;
	v46 =	vadd.f32 $6.280000210e+00, v6  }
0x135: {  	vm5 =	vlt.f32 v6, $0.0e+00;
	v8 =	vsub.f32 v8, v15;
	v15 =	vfloor.f32 v50  }
0x136: {  	v40 =	vld.idx.msk [tilespmem:v38+s4+$0x0], $0xffff;
	v10 =	vsel vm9, $0x11C, v10;
	v7 =	vsel vm14, v16, v7;
	v15 =	vmul.f32 $6.280000210e+00, v15  }
0x137: {  	vm6 =	veq.f32 v9, $6.280000210e+00;
	v10 =	vsel vm10, $0x11E, v10;
	v16 =	vsub.f32 v51, v17  }
0x138: {  	v7 =	vmul.f32 v7, v1;
	v6 =	vsel vm5, v46, v6;
	v14 =	vsub.f32 v49, v15  }
0x139: {  	v9 =	vsel vm6, $0x0, v9;
	v6 =	vmul.f32 v6, v1;
	v15 =	vsel vm10, $0x11F, v54  }
0x13a: {  	v9 =	vand.u32 $0x7FFFFFFF, v9;
	vm12 =	veq.f32 v16, $6.280000210e+00;
	vm11 =	veq.f32 v14, $6.280000210e+00  }
0x13b: {  	v2 =	vld.idx.msk [tilespmem:v2+s4+$0x0], $0xffff;
	v7 =	vsub.f32 v7, v40;
	v56 =	vsel vm12, $0x0, v16;
	v14 =	vsel vm11, $0x0, v14  }
0x13c: {  	v11 =	vld.idx.msk [tilespmem:v47+s4+$0x0], $0xffff;
	v5 =	vor.u32 v5, v9;
	v55 =	vand.u32 $0x7FFFFFFF, v14;
	v14 =	vand.u32 $0x7FFFFFFF, v56  }
0x13d: {  	v57 =	vadd.f32 $6.280000210e+00, v5;
	v10 =	vld.idx.msk [tilespmem:v10+s4+$0x0], $0xffff;
	v9 =	vor.u32 v13, v55;
	v12 =	vor.u32 v12, v14  }
0x13e: {  	vm13 =	vlt.f32 v5, $0.0e+00;
	v58 =	vld.idx.msk [tilespmem:v15+s4+$0x0], $0xffff;
	v59 =	vadd.f32 $6.280000210e+00, v9;
	v60 =	vadd.f32 $6.280000210e+00, v12  }
0x13f: {  	v5 =	vsel vm13, v57, v5;
	vm14 =	vlt.f32 v9, $0.0e+00;
	vm15 =	vlt.f32 v12, $0.0e+00  }
0x140: {  	v5 =	vmul.f32 v5, v1;
	v9 =	vsel vm14, v59, v9;
	v12 =	vsel vm15, v60, v12  }
0x141: {  	v6 =	vsub.f32 v6, v11;
	v61 =	vmul.f32 v9, v1;
	v62 =	vmul.f32 v12, v1  }
0x142: {  	v7 =	vmul.f32 v7, v7;
	v8 =	vmul.f32 v8, v8;
	v2 =	vsub.f32 v5, v2  }
0x143: {  	v4 =	vsub.f32 v61, v10;
	v1 =	vsub.f32 v62, v58  }
0x144: {  	v6 =	vmul.f32 v6, v6;
	v63 =	vadd.f32 v8, v7;
	v2 =	vmul.f32 v2, v2  }
0x145: {  	v4 =	vmul.f32 v4, v4;
	v1 =	vmul.f32 v1, v1  }
0x146: {  	v3 =	vadd.f32 v63, v3;
	v2 =	vadd.f32 v2, v6  }
0x147: {  	v1 =	vadd.f32 v1, v4  }
0x148: {  	v2 =	vadd.f32 v3, v2  }
0x149: {  	v1 =	vnsel vm0, $0x0, v1  }
0x14a: {  	v1 =	vadd.f32 v2, v1;
	_ =	sdelay $0x1  }
0x14b: {  	(xrf2) =	vadd.scan.msk.f32 $0xffff, v1;
	_ =	sdelay $0x9  }
0x14c: {  	v1, _, _ =	vpop (xrf2)  }
0x14d: {  	v1 =	vbroadcast v1, $0xF;
	_ =	sdelay $0x1  }
0x14e: {  	v0 =	vmul.f32 v1, v0;
	_ =	sdelay $0x1  }
0x14f: {  	s31 =	simm.s32 $0x200;
	[tilespmem:$0x200] =	vst v0  }
0x150: {  	[hbm4b:s1+s2] =	stream.linear.scatter [tilespmem:s31], [sflag:$0x1], $0x80, $0x38;
	[tilespmem:$0x280] =	vst v63  }
0x151: {  	_ =	swait.ge [sflag:s24], $0x80  }
0x152: {  	[sflag:s24] =	ssyncset.done $0x0  }
0x153: {  	[sflag:s24] =	ssyncadd.s32 $0xFFFFFF80  }
0x154: {  	_ =	sfence.sel $0x180000  }
0x155: {  	[bflag:$0x0] =	sbarrier.arrive $0xFFFF  }
0x156: {  	_ =	strace $0x90000047  }
0x157: {  	s0 =	sadd.s32 $0x100000, s0;
	[bflag:$0x2] =	sbarrier.arrive $0xFFFF  }
0x158: {  	[sflag:s0] =	ssyncadd.tile.s32 $0x1;
	_ =	shalt  }
.Lfunc_end2:
_tile_overlayer_lowered:
.L_overlay_start_2:
0x159: {  	(tag) =	ssettag $0x2  }
0x15a: {  	s0 =	rddreg [dreg:$0x0];
	s2 =	stileid.u32  }
0x15b: {  	s1 =	rddreg [dreg:$0x1];
	p0 =	sne.s32 s2, $0x0  }
0x15c: {  	s3 =	rddreg [dreg:$0x2];
	[bflag:$0x3] =	sbarrier.arrive $0xFFFF;
	s2 =	simm.s32 @!p0 $0x1C01  }
0x15d: {  	[timem:s3], [sflag:s2] =	dma.local @!p0 [hbm:s0], s1  }
0x15e: {  	s0 =	simm.s32 @!p0 $0x1  }
0x15f: {  	_ =	swait.ge @!p0 [sflag:s0], s1  }
0x160: {  	s1 =	ssub.s32 @!p0 $0x0, s1;
	[sflag:s0] =	ssyncset.done @!p0 $0x0  }
0x161: {  	[sflag:s0] =	ssyncadd.s32 @!p0 s1  }
0x162: {  	[bflag:$0x3] =	sbarrier.arrive $0xFFFF  }
0x163: {  	_ =	shalt  }

</sc_bundles>
